<compile_context>
chip_gen: v7x
topology: tpu7x:2x2x1
jax: 0.10.2.dev20260603
libtpu: 0.0.44.dev20260713+nightly
codegen_flags: <defaults>
</compile_context>

<pallas_src>
import functools

import jax
import jax.numpy as jnp
from jax import lax
from jax.experimental import pallas as pl
from jax.experimental.pallas import tpu as pltpu
from jax.experimental.pallas import tpu_sc as plsc

N = 10000
F = 128
NH = 4
HC = 64
HH = NH * HC
E = 160000
GH = 128
G3 = 3 * GH

NC, NS, LANES = 2, 16, 16


def _permute(v, idx):
    return lax.gather(
        v, idx[:, None],
        dimension_numbers=lax.GatherDimensionNumbers(
            offset_dims=(), collapsed_slice_dims=(0,), start_index_map=(0,)),
        slice_sizes=(1,),
        mode=lax.GatherScatterMode.PROMISE_IN_BOUNDS)


def _lane_total(v, lane):
    for sh in (8, 4, 2, 1):
        v = v + _permute(v, jnp.bitwise_xor(lane, sh))
    return v
HALF = HH // NC
CB = 80
ROWS_PER_TILE = 632
NPAD = NS * ROWS_PER_TILE
DROWS = 256
DR_PER_TILE = DROWS // NS


def _proj_body(x_ref, wl_ref, wr_ref, xlh_ref, xrh_ref):
    xb = x_ref[...]
    xl = jnp.dot(xb, wl_ref[...], preferred_element_type=jnp.float32)
    xr = jnp.dot(xb, wr_ref[...], preferred_element_type=jnp.float32)
    xlh_ref[0, :, :] = xl[:, :HALF]
    xlh_ref[1, :, :] = xl[:, HALF:]
    xrh_ref[0, :, :] = xr[:, :HALF]
    xrh_ref[1, :, :] = xr[:, HALF:]


def _proj(x, W_l, W_r):
    BN = 1000
    return pl.pallas_call(
        _proj_body,
        grid=(N // BN,),
        in_specs=[pl.BlockSpec((BN, F), lambda i: (i, 0)),
                  pl.BlockSpec((F, HH), lambda i: (0, 0)),
                  pl.BlockSpec((F, HH), lambda i: (0, 0))],
        out_specs=[pl.BlockSpec((NC, BN, HALF), lambda i: (0, i, 0)),
                   pl.BlockSpec((NC, BN, HALF), lambda i: (0, i, 0))],
        out_shape=[jax.ShapeDtypeStruct((NC, N, HALF), jnp.float32),
                   jax.ShapeDtypeStruct((NC, N, HALF), jnp.float32)],
    )(x, W_l, W_r)


def _sc_body(xlf, xrf, src_hbm, dst_hbm, att_hbm, zer_hbm, u_hbm, d_hbm,
             srcb, dstb, dpad, dpa2, dadj, d8b, xlb, xrb, stage, staged,
             attb, U, Dp, sem):
    c = lax.axis_index("c")
    s = lax.axis_index("s")
    pltpu.sync_copy(att_hbm.at[c], attb)
    pltpu.sync_copy(zer_hbm, U.at[pl.ds(s * ROWS_PER_TILE, ROWS_PER_TILE)])
    pltpu.sync_copy(zer_hbm.at[pl.ds(0, DR_PER_TILE)],
                    Dp.at[pl.ds(s * DR_PER_TILE, DR_PER_TILE)])
    plsc.subcore_barrier()

    ec = E // NS
    e0 = s * ec
    coff = c * N

    def chunk(g, carry):
        off = e0 + g * CB
        pltpu.sync_copy(src_hbm.at[pl.ds(off, CB)], srcb.at[0])
        pltpu.sync_copy(dst_hbm.at[pl.ds(off, CB)], dstb.at[0])
        for k in range(CB // LANES):
            sl = pl.ds(k * LANES, LANES)
            srcb[0, sl] = srcb[0, sl] + coff
            dv = dstb[0, sl]
            dpad[0, sl] = (dv & 7) * 2
            dpa2[0, sl] = lax.shift_right_logical(dv, 3) & 7
            dadj[0, sl] = dv + coff
            d8b[0, sl] = lax.shift_right_logical(dv, 6)
        g1 = pltpu.async_copy(xlf.at[srcb.at[0]], xlb, sem)
        g2 = pltpu.async_copy(xrf.at[dadj.at[0]], xrb, sem)
        g1.wait()
        g2.wait()

        def edge(i, carry2):
            vls = []
            acc0 = None
            acc1 = None
            for k in range(8):
                sl = pl.ds(k * LANES, LANES)
                vl = xlb[i, sl]
                vr = xrb[i, sl]
                vls.append(vl)
                sm = vl + vr
                ep = jnp.maximum(sm, 0.2 * sm)
                p = ep * attb[k]
                if k < 4:
                    acc0 = p if acc0 is None else acc0 + p
                else:
                    acc1 = p if acc1 is None else acc1 + p
            lane = lax.iota(jnp.int32, LANES)
            ea0 = jnp.exp(_lane_total(acc0, lane))
            ea1 = jnp.exp(_lane_total(acc1, lane))
            for k in range(8):
                w = ea0 if k < 4 else ea1
                stage[i, pl.ds(k * LANES, LANES)] = vls[k] * w
            m16 = dpad[0, pl.ds(i, LANES)]
            m16b = dpa2[0, pl.ds(i, LANES)]
            la = jnp.zeros((LANES,), jnp.int32) + m16[0]
            mv = jnp.zeros((LANES,), jnp.int32) + m16b[0]
            mk0 = (1 - jnp.minimum(jnp.abs(lane - la), 1)).astype(
                jnp.float32)
            mk1 = (1 - jnp.minimum(jnp.abs(lane - la - 1), 1)).astype(
                jnp.float32)
            eav = ea0 * mk0 + ea1 * mk1
            for k in range(8):
                maskf = (1 - jnp.minimum(jnp.abs(mv - k), 1)).astype(
                    jnp.float32)
                staged[i, pl.ds(k * LANES, LANES)] = eav * maskf
            return carry2

        lax.fori_loop(0, CB, edge, 0)
        pltpu.sync_copy(stage, U.at[dstb.at[0]], add=True)
        pltpu.sync_copy(staged, Dp.at[d8b.at[0]], add=True)
        return carry

    lax.fori_loop(0, ec // CB, chunk, 0)
    plsc.subcore_barrier()
    r0 = s * ROWS_PER_TILE
    pltpu.sync_copy(U.at[pl.ds(r0, ROWS_PER_TILE)],
                    u_hbm.at[c, pl.ds(r0, ROWS_PER_TILE)])
    d0 = s * DR_PER_TILE
    pltpu.sync_copy(Dp.at[pl.ds(d0, DR_PER_TILE)],
                    d_hbm.at[c, pl.ds(d0, DR_PER_TILE)])


def _edge_sc(xlh, xrh, src, dst, att_sc, zer):
    mesh = plsc.VectorSubcoreMesh(core_axis_name="c", subcore_axis_name="s",
                                  num_cores=NC, num_subcores=NS)
    kfn = pl.kernel(
        _sc_body,
        out_type=[jax.ShapeDtypeStruct((NC, NPAD, HALF), jnp.float32),
                  jax.ShapeDtypeStruct((NC, DROWS, HALF), jnp.float32)],
        mesh=mesh,
        scratch_types=[
            pltpu.VMEM((1, CB), jnp.int32),
            pltpu.VMEM((1, CB), jnp.int32),
            pltpu.VMEM((1, CB + LANES), jnp.int32),
            pltpu.VMEM((1, CB + LANES), jnp.int32),
            pltpu.VMEM((1, CB), jnp.int32),
            pltpu.VMEM((1, CB), jnp.int32),
            pltpu.VMEM((CB, HALF), jnp.float32),
            pltpu.VMEM((CB, HALF), jnp.float32),
            pltpu.VMEM((CB, HALF), jnp.float32),
            pltpu.VMEM((CB, HALF), jnp.float32),
            pltpu.VMEM((8, LANES), jnp.float32),
            pltpu.VMEM_SHARED((NPAD, HALF), jnp.float32),
            pltpu.VMEM_SHARED((DROWS, HALF), jnp.float32),
            pltpu.SemaphoreType.DMA,
        ],
    )
    return kfn(xlh.reshape(NC * N, HALF), xrh.reshape(NC * N, HALF),
               src, dst, att_sc, zer)


def _combine_body(usc_ref, d4_ref, xlh_ref, xrh_ref, attf_ref, bias_ref,
                  wih_ref, bih_ref, gi_ref):
    xl = jnp.concatenate([xlh_ref[0], xlh_ref[1]], axis=1)
    xr = jnp.concatenate([xrh_ref[0], xrh_ref[1]], axis=1)
    U = jnp.concatenate([usc_ref[0], usc_ref[1]], axis=1)
    D4 = d4_ref[...]
    sm = xl + xr
    ep = jnp.maximum(sm, 0.2 * sm)
    m = ep * attf_ref[...]
    r_i = lax.broadcasted_iota(jnp.int32, (HH, NH), 0)
    c_i = lax.broadcasted_iota(jnp.int32, (HH, NH), 1)
    hsel = (lax.div(r_i, HC) == c_i).astype(jnp.float32)
    r_t = lax.broadcasted_iota(jnp.int32, (NH, HH), 0)
    c_t = lax.broadcasted_iota(jnp.int32, (NH, HH), 1)
    hselT = (r_t == lax.div(c_t, HC)).astype(jnp.float32)
    a_self = jnp.dot(m, hsel, preferred_element_type=jnp.float32)
    ea_self = jnp.exp(a_self)
    den4 = D4 + ea_self
    ea_full = jnp.dot(ea_self, hselT, preferred_element_type=jnp.float32)
    den_full = jnp.dot(den4, hselT, preferred_element_type=jnp.float32)
    gat = (U + ea_full * xl) / den_full + bias_ref[...]
    gi_ref[...] = (jnp.dot(gat, wih_ref[...],
                           preferred_element_type=jnp.float32) + bih_ref[...])


def _combine(usc, d4, xlh, xrh, attf, bias, wiht, bih):
    BN = 1000
    return pl.pallas_call(
        _combine_body,
        grid=(N // BN,),
        in_specs=[pl.BlockSpec((NC, BN, HALF), lambda i: (0, i, 0)),
                  pl.BlockSpec((BN, NH), lambda i: (i, 0)),
                  pl.BlockSpec((NC, BN, HALF), lambda i: (0, i, 0)),
                  pl.BlockSpec((NC, BN, HALF), lambda i: (0, i, 0)),
                  pl.BlockSpec((1, HH), lambda i: (0, 0)),
                  pl.BlockSpec((1, HH), lambda i: (0, 0)),
                  pl.BlockSpec((HH, G3), lambda i: (0, 0)),
                  pl.BlockSpec((1, G3), lambda i: (0, 0))],
        out_specs=pl.BlockSpec((BN, G3), lambda i: (i, 0)),
        out_shape=jax.ShapeDtypeStruct((N, G3), jnp.float32),
    )(usc, d4, xlh, xrh, attf, bias, wiht, bih)


_BT = 1000
_TB = N // _BT


def _gru_body(gi_ref, whht_ref, bhh_ref, wfc_ref, bfc_ref, ls_ref,
              mean_ref, std_ref, h_ref):
    t = pl.program_id(0)

    @pl.when(t == 0)
    def _init():
        h_ref[...] = jnp.zeros_like(h_ref)

    whht = whht_ref[...]
    bhh = bhh_ref[...]

    def step(i, h):
        gh = jnp.dot(h, whht, preferred_element_type=jnp.float32) + bhh
        gi_t = gi_ref[pl.ds(i, 1), :]
        r = jax.nn.sigmoid(gi_t[:, :GH] + gh[:, :GH])
        z = jax.nn.sigmoid(gi_t[:, GH:2 * GH] + gh[:, GH:2 * GH])
        nn_ = jnp.tanh(gi_t[:, 2 * GH:] + r * gh[:, 2 * GH:])
        return (1.0 - z) * nn_ + z * h

    h = lax.fori_loop(0, _BT, step, h_ref[0:1, :])
    h_ref[0:1, :] = h

    @pl.when(t == _TB - 1)
    def _fin():
        mean_ref[...] = (jnp.dot(h, wfc_ref[...],
                                 preferred_element_type=jnp.float32)
                         + bfc_ref[...])
        std_ref[...] = jnp.exp(jnp.clip(ls_ref[...], -10.0, 2.0))


def _gru_head(gi, whht, bhh, wfc, bfc, ls):
    return pl.pallas_call(
        _gru_body,
        grid=(_TB,),
        in_specs=[pl.BlockSpec((_BT, G3), lambda i: (i, 0)),
                  pl.BlockSpec((GH, G3), lambda i: (0, 0)),
                  pl.BlockSpec((1, G3), lambda i: (0, 0)),
                  pl.BlockSpec((GH, N), lambda i: (0, 0)),
                  pl.BlockSpec((1, N), lambda i: (0, 0)),
                  pl.BlockSpec((1, N), lambda i: (0, 0))],
        out_specs=[pl.BlockSpec((1, N), lambda i: (0, 0)),
                   pl.BlockSpec((1, N), lambda i: (0, 0))],
        out_shape=[jax.ShapeDtypeStruct((1, N), jnp.float32),
                   jax.ShapeDtypeStruct((1, N), jnp.float32)],
        scratch_shapes=[pltpu.VMEM((8, GH), jnp.float32)],
    )(gi, whht, bhh, wfc, bfc, ls)


def kernel(x, edge_index, W_l, W_r, att, bias_gat, W_ih, W_hh, b_ih, b_hh,
           W_fc, b_fc, log_std):
    src = edge_index[0].astype(jnp.int32)
    dst = edge_index[1].astype(jnp.int32)
    xlh, xrh = _proj(x, W_l, W_r)
    att_sc = att.reshape(NC, 8, LANES)
    zer = jnp.zeros((ROWS_PER_TILE, HALF), jnp.float32)
    usc, dsc = _edge_sc(xlh, xrh, src, dst, att_sc, zer)
    dflat = dsc.reshape(NC, DROWS * 64, 2)[:, :N]
    d4 = jnp.concatenate([dflat[0], dflat[1]], axis=1)
    gi = _combine(usc, d4, xlh, xrh, att.reshape(1, HH),
                  bias_gat.reshape(1, HH), W_ih.T, b_ih.reshape(1, G3))
    mean, std = _gru_head(gi, W_hh.T, b_hh.reshape(1, G3), W_fc,
                          b_fc.reshape(1, N), log_std.reshape(1, N))
    return mean.reshape(N), std.reshape(N)

# --- scband reference (transcript-rebuilt; emitter-appended) ---
"""Pipeline reference for scband-actor-network-67662914781471 (READ-ONLY COPY).

The authoritative reference and input builder live on the scoring server;
editing this copy changes nothing except your own understanding.
"""

import jax, jax.numpy as jnp
import numpy as np

N_STOCKS = 10000
N_FEATURES = 128
HIDDEN = 64
HEADS = 4
GRU_H = 128
N_EDGES = 160000


def setup_inputs(seed: int = 0) -> dict:
    key = jax.random.key(seed)
    ks = jax.random.split(key, 12)
    s = 0.05
    x = jax.random.normal(ks[0], (N_STOCKS, N_FEATURES), dtype=jnp.float32)
    edge_index = jax.random.randint(ks[1], (2, N_EDGES), 0, N_STOCKS)
    W_l = jax.random.normal(ks[2], (N_FEATURES, HEADS * HIDDEN), dtype=jnp.float32) * s
    W_r = jax.random.normal(ks[3], (N_FEATURES, HEADS * HIDDEN), dtype=jnp.float32) * s
    att = jax.random.normal(ks[4], (HEADS, HIDDEN), dtype=jnp.float32) * s
    bias_gat = jnp.zeros((HEADS * HIDDEN,), dtype=jnp.float32)
    W_ih = jax.random.normal(ks[5], (3 * GRU_H, HEADS * HIDDEN), dtype=jnp.float32) * s
    W_hh = jax.random.normal(ks[6], (3 * GRU_H, GRU_H), dtype=jnp.float32) * s
    b_ih = jnp.zeros((3 * GRU_H,), dtype=jnp.float32)
    b_hh = jnp.zeros((3 * GRU_H,), dtype=jnp.float32)
    W_fc = jax.random.normal(ks[7], (GRU_H, N_STOCKS), dtype=jnp.float32) * s
    b_fc = jnp.zeros((N_STOCKS,), dtype=jnp.float32)
    log_std = jnp.zeros((N_STOCKS,), dtype=jnp.float32)
    return {"x": x, "edge_index": edge_index, "W_l": W_l, "W_r": W_r, "att": att,
            "bias_gat": bias_gat, "W_ih": W_ih, "W_hh": W_hh, "b_ih": b_ih, "b_hh": b_hh,
            "W_fc": W_fc, "b_fc": b_fc, "log_std": log_std}


def _gatv2(x, edge_index, W_l, W_r, att, bias_gat):
    n = x.shape[0]
    loop = jnp.arange(n, dtype=edge_index.dtype)
    ei = jnp.concatenate([edge_index, jnp.stack([loop, loop])], axis=1)  # add_self_loops=True
    src, dst = ei[0], ei[1]
    xl = (x @ W_l).reshape(n, HEADS, HIDDEN)  # lin_l (source)
    xr = (x @ W_r).reshape(n, HEADS, HIDDEN)  # lin_r (target)
    xj = xl[src]                               # [E, H, C] gather
    xi = xr[dst]                               # [E, H, C] gather
    e = jax.nn.leaky_relu(xi + xj, negative_slope=0.2)
    alpha = (e * att[None, :, :]).sum(-1)      # [E, H]
    amax = jax.ops.segment_max(alpha, dst, num_segments=n)
    amax = jnp.where(jnp.isfinite(amax), amax, 0.0)
    ea = jnp.exp(alpha - amax[dst])
    denom = jax.ops.segment_sum(ea, dst, num_segments=n)
    w = ea / (denom[dst] + 1e-16)              # softmax over incoming edges per dst
    msg = xj * w[:, :, None]
    out = jax.ops.segment_sum(msg, dst, num_segments=n)  # scatter-add
    return out.reshape(n, HEADS * HIDDEN) + bias_gat


def _gru_last(seq, W_ih, W_hh, b_ih, b_hh):
    h0 = jnp.zeros((GRU_H,), dtype=seq.dtype)
    def step(h, xt):
        gi = xt @ W_ih.T + b_ih
        gh = h @ W_hh.T + b_hh
        i_r, i_z, i_n = jnp.split(gi, 3)
        h_r, h_z, h_n = jnp.split(gh, 3)
        r = jax.nn.sigmoid(i_r + h_r)
        z = jax.nn.sigmoid(i_z + h_z)
        new = jnp.tanh(i_n + r * h_n)
        hn = (1.0 - z) * new + z * h
        return hn, hn
    hN, _ = jax.lax.scan(step, h0, seq)
    return hN


def reference(x, edge_index, W_l, W_r, att, bias_gat, W_ih, W_hh, b_ih, b_hh, W_fc, b_fc, log_std):
    gat_out = _gatv2(x, edge_index, W_l, W_r, att, bias_gat)
    # dropout(p=0.1) on attention coefficients is identity in eval mode
    # GRU consumes gat_out as a single sequence (batch=1, seq_len=N_STOCKS);
    # taking the last timestep's output == final hidden state
    last = _gru_last(gat_out, W_ih, W_hh, b_ih, b_hh)
    mean = last @ W_fc + b_fc
    log_std_c = jnp.clip(log_std, -10.0, 2.0)
    std = jnp.exp(log_std_c)
    return (mean, std)

if __name__ == "__main__":
    import jax
    _d = setup_inputs()
    print(jax.jit(kernel)(*tuple(_d.values())))

</pallas_src>

<mosaic_0001>
#map = affine_map<(d0, d1) -> (0, 0)>
#map1 = affine_map<(d0, d1) -> (0)>
#map2 = affine_map<(d0, d1) -> (0, 0, 0)>
module attributes {stable_mosaic.version = 14 : i64} {
  func.func @_sc_body(%arg0: i32, %arg1: i32, %arg2: memref<20000x128xf32, #tpu.memory_space<hbm>>, %arg3: memref<20000x128xf32, #tpu.memory_space<hbm>>, %arg4: memref<160000xi32, #tpu.memory_space<hbm>>, %arg5: memref<160000xi32, #tpu.memory_space<hbm>>, %arg6: memref<2x8x16xf32, #tpu.memory_space<hbm>>, %arg7: memref<632x128xf32, #tpu.memory_space<hbm>>, %arg8: memref<2x10112x128xf32, #tpu.memory_space<hbm>>, %arg9: memref<2x256x128xf32, #tpu.memory_space<hbm>>, %arg10: memref<1x80xi32, #tpu.memory_space<vmem>>, %arg11: memref<1x80xi32, #tpu.memory_space<vmem>>, %arg12: memref<1x96xi32, #tpu.memory_space<vmem>>, %arg13: memref<1x96xi32, #tpu.memory_space<vmem>>, %arg14: memref<1x80xi32, #tpu.memory_space<vmem>>, %arg15: memref<1x80xi32, #tpu.memory_space<vmem>>, %arg16: memref<80x128xf32, #tpu.memory_space<vmem>>, %arg17: memref<80x128xf32, #tpu.memory_space<vmem>>, %arg18: memref<80x128xf32, #tpu.memory_space<vmem>>, %arg19: memref<80x128xf32, #tpu.memory_space<vmem>>, %arg20: memref<8x16xf32, #tpu.memory_space<vmem>>, %arg21: memref<10112x128xf32, #tpu.memory_space<vmem_shared>>, %arg22: memref<256x128xf32, #tpu.memory_space<vmem_shared>>, %arg23: memref<!tpu.dma_semaphore, #tpu.memory_space<semaphore_mem>>) attributes {dimension_semantics = [#tpu.dimension_semantics<core_parallel>, #tpu.dimension_semantics<subcore_parallel>], iteration_bounds = array<i64: 2, 16>, scalar_prefetch = 0 : i64, scratch_operands = 14 : i64, tpu.core_type = #tpu.core_type<sc_vector_subcore>, window_params = [{transform_indices = #map}, {transform_indices = #map}, {transform_indices = #map1}, {transform_indices = #map1}, {transform_indices = #map2}, {transform_indices = #map}, {transform_indices = #map2}, {transform_indices = #map2}]} {
    "tpu.region"() ({
      %run_scoped3A = tpu.sem_alloc : memref<!tpu.dma_semaphore, #tpu.memory_space<semaphore_mem>>
      %dma_start3A = arith.constant 0 : i32
      %dma_start3A_17 = arith.constant 0 : i32
      %dma_start3A_18 = tpu.memref_slice %arg6[%arg0, %dma_start3A, %dma_start3A_17] : memref<2x8x16xf32, #tpu.memory_space<hbm>> -> memref<1x8x16xf32, #tpu.memory_space<hbm>>
      %dma_start3A_19 = tpu.memref_squeeze %dma_start3A_18 : memref<1x8x16xf32, #tpu.memory_space<hbm>> -> memref<8x16xf32, #tpu.memory_space<hbm>>
      %dma_start3A_20 = arith.constant 0 : i32
      %dma_start3A_21 = arith.constant 0 : i32
      %dma_start3A_22 = tpu.memref_slice %arg6[%arg0, %dma_start3A_20, %dma_start3A_21] : memref<2x8x16xf32, #tpu.memory_space<hbm>> -> memref<1x8x16xf32, #tpu.memory_space<hbm>>
      %dma_start3A_23 = tpu.memref_squeeze %dma_start3A_22 : memref<1x8x16xf32, #tpu.memory_space<hbm>> -> memref<8x16xf32, #tpu.memory_space<hbm>>
      tpu.enqueue_dma source(%dma_start3A_23 : memref<8x16xf32, #tpu.memory_space<hbm>>) target(%arg20 : memref<8x16xf32, #tpu.memory_space<vmem>>) target_semaphore(%run_scoped3A : memref<!tpu.dma_semaphore, #tpu.memory_space<semaphore_mem>>)
      %dma_wait3A = arith.constant 0 : i32
      %dma_wait3A_24 = arith.constant 0 : i32
      %dma_wait3A_25 = tpu.memref_slice %arg6[%arg0, %dma_wait3A, %dma_wait3A_24] : memref<2x8x16xf32, #tpu.memory_space<hbm>> -> memref<1x8x16xf32, #tpu.memory_space<hbm>>
      %dma_wait3A_26 = tpu.memref_squeeze %dma_wait3A_25 : memref<1x8x16xf32, #tpu.memory_space<hbm>> -> memref<8x16xf32, #tpu.memory_space<hbm>>
      %dma_wait3A_27 = arith.constant 0 : i32
      %dma_wait3A_28 = arith.constant 0 : i32
      %dma_wait3A_29 = tpu.memref_slice %arg6[%arg0, %dma_wait3A_27, %dma_wait3A_28] : memref<2x8x16xf32, #tpu.memory_space<hbm>> -> memref<1x8x16xf32, #tpu.memory_space<hbm>>
      %dma_wait3A_30 = tpu.memref_squeeze %dma_wait3A_29 : memref<1x8x16xf32, #tpu.memory_space<hbm>> -> memref<8x16xf32, #tpu.memory_space<hbm>>
      tpu.wait_dma2 semaphore(%run_scoped3A : memref<!tpu.dma_semaphore, #tpu.memory_space<semaphore_mem>>) src(%dma_wait3A_30 : memref<8x16xf32, #tpu.memory_space<hbm>>) dst(%arg20 : memref<8x16xf32, #tpu.memory_space<vmem>>)
      tpu.yield
    }) : () -> ()
    %mul3A = arith.constant 632 : i32
    %mul3A_0 = arith.muli %arg1, %mul3A : i32
    "tpu.region"() ({
      %run_scoped3A = tpu.sem_alloc : memref<!tpu.dma_semaphore, #tpu.memory_space<semaphore_mem>>
      %dma_start3A = arith.constant 0 : i32
      %dma_start3A_17 = tpu.memref_slice %arg21[%mul3A_0, %dma_start3A] : memref<10112x128xf32, #tpu.memory_space<vmem_shared>> -> memref<632x128xf32, #tpu.memory_space<vmem_shared>>
      tpu.enqueue_dma source(%arg7 : memref<632x128xf32, #tpu.memory_space<hbm>>) target(%dma_start3A_17 : memref<632x128xf32, #tpu.memory_space<vmem_shared>>) target_semaphore(%run_scoped3A : memref<!tpu.dma_semaphore, #tpu.memory_space<semaphore_mem>>)
      %dma_wait3A = arith.constant 0 : i32
      %dma_wait3A_18 = tpu.memref_slice %arg21[%mul3A_0, %dma_wait3A] : memref<10112x128xf32, #tpu.memory_space<vmem_shared>> -> memref<632x128xf32, #tpu.memory_space<vmem_shared>>
      tpu.wait_dma2 semaphore(%run_scoped3A : memref<!tpu.dma_semaphore, #tpu.memory_space<semaphore_mem>>) src(%arg7 : memref<632x128xf32, #tpu.memory_space<hbm>>) dst(%dma_wait3A_18 : memref<632x128xf32, #tpu.memory_space<vmem_shared>>)
      tpu.yield
    }) : () -> ()
    %mul3A_1 = arith.constant 16 : i32
    %mul3A_2 = arith.muli %arg1, %mul3A_1 : i32
    "tpu.region"() ({
      %run_scoped3A = tpu.sem_alloc : memref<!tpu.dma_semaphore, #tpu.memory_space<semaphore_mem>>
      %dma_start3A = arith.constant 0 : i32
      %dma_start3A_17 = tpu.memref_slice %arg22[%mul3A_2, %dma_start3A] : memref<256x128xf32, #tpu.memory_space<vmem_shared>> -> memref<16x128xf32, #tpu.memory_space<vmem_shared>>
      %dma_start3A_18 = arith.constant 0 : i32
      %dma_start3A_19 = arith.constant 0 : i32
      %dma_start3A_20 = tpu.memref_slice %arg7[%dma_start3A_18, %dma_start3A_19] : memref<632x128xf32, #tpu.memory_space<hbm>> -> memref<16x128xf32, #tpu.memory_space<hbm>>
      tpu.enqueue_dma source(%dma_start3A_20 : memref<16x128xf32, #tpu.memory_space<hbm>>) target(%dma_start3A_17 : memref<16x128xf32, #tpu.memory_space<vmem_shared>>) target_semaphore(%run_scoped3A : memref<!tpu.dma_semaphore, #tpu.memory_space<semaphore_mem>>)
      %dma_wait3A = arith.constant 0 : i32
      %dma_wait3A_21 = tpu.memref_slice %arg22[%mul3A_2, %dma_wait3A] : memref<256x128xf32, #tpu.memory_space<vmem_shared>> -> memref<16x128xf32, #tpu.memory_space<vmem_shared>>
      %dma_wait3A_22 = arith.constant 0 : i32
      %dma_wait3A_23 = arith.constant 0 : i32
      %dma_wait3A_24 = tpu.memref_slice %arg7[%dma_wait3A_22, %dma_wait3A_23] : memref<632x128xf32, #tpu.memory_space<hbm>> -> memref<16x128xf32, #tpu.memory_space<hbm>>
      tpu.wait_dma2 semaphore(%run_scoped3A : memref<!tpu.dma_semaphore, #tpu.memory_space<semaphore_mem>>) src(%dma_wait3A_24 : memref<16x128xf32, #tpu.memory_space<hbm>>) dst(%dma_wait3A_21 : memref<16x128xf32, #tpu.memory_space<vmem_shared>>)
      tpu.yield
    }) : () -> ()
    %barrier3A = arith.constant 0 : index
    tpu.barrier barrier_id(%barrier3A)
    %mul3A_3 = arith.constant 10000 : i32
    %mul3A_4 = arith.muli %arg1, %mul3A_3 : i32
    %mul3A_5 = arith.constant 10000 : i32
    %mul3A_6 = arith.muli %arg0, %mul3A_5 : i32
    %scan3A = arith.constant 0 : i32
    %scan3A_7 = arith.constant 0 : i32
    %scan3A_8 = arith.constant 125 : i32
    %scan3A_9 = arith.addi %scan3A_7, %scan3A_8 : i32
    %scan3A_10 = arith.constant 1 : i32
    scf.for %scan3A_17 = %scan3A_7 to %scan3A_9 step %scan3A_10  : i32 {
      %mul3A_18 = arith.constant 80 : i32
      %mul3A_19 = arith.muli %scan3A_17, %mul3A_18 : i32
      %add3A = arith.addi %mul3A_4, %mul3A_19 : i32
      %run_scoped3A = arith.constant 0 : i32
      "tpu.region"() ({
        %run_scoped3A_346 = tpu.sem_alloc : memref<!tpu.dma_semaphore, #tpu.memory_space<semaphore_mem>>
        %dma_start3A_347 = arith.constant 0 : i32
        %dma_start3A_348 = tpu.memref_slice %arg10[%run_scoped3A, %dma_start3A_347] : memref<1x80xi32, #tpu.memory_space<vmem>> -> memref<1x80xi32, #tpu.memory_space<vmem>>
        %dma_start3A_349 = tpu.memref_squeeze %dma_start3A_348 : memref<1x80xi32, #tpu.memory_space<vmem>> -> memref<80xi32, #tpu.memory_space<vmem>>
        %dma_start3A_350 = tpu.memref_slice %arg4[%add3A] : memref<160000xi32, #tpu.memory_space<hbm>> -> memref<80xi32, #tpu.memory_space<hbm>>
        %dma_start3A_351 = arith.constant 0 : i32
        %dma_start3A_352 = tpu.memref_slice %arg10[%run_scoped3A, %dma_start3A_351] : memref<1x80xi32, #tpu.memory_space<vmem>> -> memref<1x80xi32, #tpu.memory_space<vmem>>
        %dma_start3A_353 = tpu.memref_squeeze %dma_start3A_352 : memref<1x80xi32, #tpu.memory_space<vmem>> -> memref<80xi32, #tpu.memory_space<vmem>>
        %dma_start3A_354 = tpu.memref_slice %arg4[%add3A] : memref<160000xi32, #tpu.memory_space<hbm>> -> memref<80xi32, #tpu.memory_space<hbm>>
        tpu.enqueue_dma source(%dma_start3A_354 : memref<80xi32, #tpu.memory_space<hbm>>) target(%dma_start3A_353 : memref<80xi32, #tpu.memory_space<vmem>>) target_semaphore(%run_scoped3A_346 : memref<!tpu.dma_semaphore, #tpu.memory_space<semaphore_mem>>)
        %dma_wait3A_355 = arith.constant 0 : i32
        %dma_wait3A_356 = tpu.memref_slice %arg10[%run_scoped3A, %dma_wait3A_355] : memref<1x80xi32, #tpu.memory_space<vmem>> -> memref<1x80xi32, #tpu.memory_space<vmem>>
        %dma_wait3A_357 = tpu.memref_squeeze %dma_wait3A_356 : memref<1x80xi32, #tpu.memory_space<vmem>> -> memref<80xi32, #tpu.memory_space<vmem>>
        %dma_wait3A_358 = tpu.memref_slice %arg4[%add3A] : memref<160000xi32, #tpu.memory_space<hbm>> -> memref<80xi32, #tpu.memory_space<hbm>>
        %dma_wait3A_359 = arith.constant 0 : i32
        %dma_wait3A_360 = tpu.memref_slice %arg10[%run_scoped3A, %dma_wait3A_359] : memref<1x80xi32, #tpu.memory_space<vmem>> -> memref<1x80xi32, #tpu.memory_space<vmem>>
        %dma_wait3A_361 = tpu.memref_squeeze %dma_wait3A_360 : memref<1x80xi32, #tpu.memory_space<vmem>> -> memref<80xi32, #tpu.memory_space<vmem>>
        %dma_wait3A_362 = tpu.memref_slice %arg4[%add3A] : memref<160000xi32, #tpu.memory_space<hbm>> -> memref<80xi32, #tpu.memory_space<hbm>>
        tpu.wait_dma2 semaphore(%run_scoped3A_346 : memref<!tpu.dma_semaphore, #tpu.memory_space<semaphore_mem>>) src(%dma_wait3A_362 : memref<80xi32, #tpu.memory_space<hbm>>) dst(%dma_wait3A_361 : memref<80xi32, #tpu.memory_space<vmem>>)
        tpu.yield
      }) : () -> ()
      %run_scoped3A_20 = arith.constant 0 : i32
      "tpu.region"() ({
        %run_scoped3A_346 = tpu.sem_alloc : memref<!tpu.dma_semaphore, #tpu.memory_space<semaphore_mem>>
        %dma_start3A_347 = arith.constant 0 : i32
        %dma_start3A_348 = tpu.memref_slice %arg11[%run_scoped3A_20, %dma_start3A_347] : memref<1x80xi32, #tpu.memory_space<vmem>> -> memref<1x80xi32, #tpu.memory_space<vmem>>
        %dma_start3A_349 = tpu.memref_squeeze %dma_start3A_348 : memref<1x80xi32, #tpu.memory_space<vmem>> -> memref<80xi32, #tpu.memory_space<vmem>>
        %dma_start3A_350 = tpu.memref_slice %arg5[%add3A] : memref<160000xi32, #tpu.memory_space<hbm>> -> memref<80xi32, #tpu.memory_space<hbm>>
        %dma_start3A_351 = arith.constant 0 : i32
        %dma_start3A_352 = tpu.memref_slice %arg11[%run_scoped3A_20, %dma_start3A_351] : memref<1x80xi32, #tpu.memory_space<vmem>> -> memref<1x80xi32, #tpu.memory_space<vmem>>
        %dma_start3A_353 = tpu.memref_squeeze %dma_start3A_352 : memref<1x80xi32, #tpu.memory_space<vmem>> -> memref<80xi32, #tpu.memory_space<vmem>>
        %dma_start3A_354 = tpu.memref_slice %arg5[%add3A] : memref<160000xi32, #tpu.memory_space<hbm>> -> memref<80xi32, #tpu.memory_space<hbm>>
        tpu.enqueue_dma source(%dma_start3A_354 : memref<80xi32, #tpu.memory_space<hbm>>) target(%dma_start3A_353 : memref<80xi32, #tpu.memory_space<vmem>>) target_semaphore(%run_scoped3A_346 : memref<!tpu.dma_semaphore, #tpu.memory_space<semaphore_mem>>)
        %dma_wait3A_355 = arith.constant 0 : i32
        %dma_wait3A_356 = tpu.memref_slice %arg11[%run_scoped3A_20, %dma_wait3A_355] : memref<1x80xi32, #tpu.memory_space<vmem>> -> memref<1x80xi32, #tpu.memory_space<vmem>>
        %dma_wait3A_357 = tpu.memref_squeeze %dma_wait3A_356 : memref<1x80xi32, #tpu.memory_space<vmem>> -> memref<80xi32, #tpu.memory_space<vmem>>
        %dma_wait3A_358 = tpu.memref_slice %arg5[%add3A] : memref<160000xi32, #tpu.memory_space<hbm>> -> memref<80xi32, #tpu.memory_space<hbm>>
        %dma_wait3A_359 = arith.constant 0 : i32
        %dma_wait3A_360 = tpu.memref_slice %arg11[%run_scoped3A_20, %dma_wait3A_359] : memref<1x80xi32, #tpu.memory_space<vmem>> -> memref<1x80xi32, #tpu.memory_space<vmem>>
        %dma_wait3A_361 = tpu.memref_squeeze %dma_wait3A_360 : memref<1x80xi32, #tpu.memory_space<vmem>> -> memref<80xi32, #tpu.memory_space<vmem>>
        %dma_wait3A_362 = tpu.memref_slice %arg5[%add3A] : memref<160000xi32, #tpu.memory_space<hbm>> -> memref<80xi32, #tpu.memory_space<hbm>>
        tpu.wait_dma2 semaphore(%run_scoped3A_346 : memref<!tpu.dma_semaphore, #tpu.memory_space<semaphore_mem>>) src(%dma_wait3A_362 : memref<80xi32, #tpu.memory_space<hbm>>) dst(%dma_wait3A_361 : memref<80xi32, #tpu.memory_space<vmem>>)
        tpu.yield
      }) : () -> ()
      %get3A = arith.constant 0 : i32
      %get3A_21 = arith.index_cast %get3A : i32 to index
      %get3A_22 = arith.constant 0 : index
      %get3A_23 = tpu.vector_load %arg10[%get3A_21, %get3A_22] {strides = array<i32>} : memref<1x80xi32, #tpu.memory_space<vmem>>, vector<1x16xi32>,
      %get3A_24 = vector.shape_cast %get3A_23 : vector<1x16xi32> to vector<16xi32>
      %add3A_25 = vector.broadcast %mul3A_6 : i32 to vector<16xi32>
      %add3A_26 = arith.addi %get3A_24, %add3A_25 : vector<16xi32>
      %swap3A = arith.constant 0 : i32
      %swap3A_27 = arith.index_cast %swap3A : i32 to index
      %swap3A_28 = arith.constant 0 : index
      %swap3A_29 = tpu.vector_load %arg10[%swap3A_27, %swap3A_28] {strides = array<i32>} : memref<1x80xi32, #tpu.memory_space<vmem>>, vector<1x16xi32>,
      %swap3A_30 = vector.shape_cast %swap3A_29 : vector<1x16xi32> to vector<16xi32>
      %swap3A_31 = vector.shape_cast %add3A_26 : vector<16xi32> to vector<1x16xi32>
      tpu.vector_store %arg10[%swap3A_27, %swap3A_28], %swap3A_31 {strides = array<i32>} : memref<1x80xi32, #tpu.memory_space<vmem>>, vector<1x16xi32>,
      %get3A_32 = arith.constant 0 : i32
      %get3A_33 = arith.index_cast %get3A_32 : i32 to index
      %get3A_34 = arith.constant 0 : index
      %get3A_35 = tpu.vector_load %arg11[%get3A_33, %get3A_34] {strides = array<i32>} : memref<1x80xi32, #tpu.memory_space<vmem>>, vector<1x16xi32>,
      %get3A_36 = vector.shape_cast %get3A_35 : vector<1x16xi32> to vector<16xi32>
      %and3A = arith.constant 7 : i32
      %and3A_37 = vector.broadcast %and3A : i32 to vector<16xi32>
      %and3A_38 = arith.andi %get3A_36, %and3A_37 : vector<16xi32>
      %mul3A_39 = arith.constant 2 : i32
      %mul3A_40 = vector.broadcast %mul3A_39 : i32 to vector<16xi32>
      %mul3A_41 = arith.muli %and3A_38, %mul3A_40 : vector<16xi32>
      %swap3A_42 = arith.constant 0 : i32
      %swap3A_43 = arith.index_cast %swap3A_42 : i32 to index
      %swap3A_44 = arith.constant 0 : index
      %swap3A_45 = tpu.vector_load %arg12[%swap3A_43, %swap3A_44] {strides = array<i32>} : memref<1x96xi32, #tpu.memory_space<vmem>>, vector<1x16xi32>,
      %swap3A_46 = vector.shape_cast %swap3A_45 : vector<1x16xi32> to vector<16xi32>
      %swap3A_47 = vector.shape_cast %mul3A_41 : vector<16xi32> to vector<1x16xi32>
      tpu.vector_store %arg12[%swap3A_43, %swap3A_44], %swap3A_47 {strides = array<i32>} : memref<1x96xi32, #tpu.memory_space<vmem>>, vector<1x16xi32>,
      %shift_right_logical3A = arith.constant 3 : i32
      %shift_right_logical3A_48 = vector.broadcast %shift_right_logical3A : i32 to vector<16xi32>
      %shift_right_logical3A_49 = arith.shrui %get3A_36, %shift_right_logical3A_48 : vector<16xi32>
      %and3A_50 = arith.constant 7 : i32
      %and3A_51 = vector.broadcast %and3A_50 : i32 to vector<16xi32>
      %and3A_52 = arith.andi %shift_right_logical3A_49, %and3A_51 : vector<16xi32>
      %swap3A_53 = arith.constant 0 : i32
      %swap3A_54 = arith.index_cast %swap3A_53 : i32 to index
      %swap3A_55 = arith.constant 0 : index
      %swap3A_56 = tpu.vector_load %arg13[%swap3A_54, %swap3A_55] {strides = array<i32>} : memref<1x96xi32, #tpu.memory_space<vmem>>, vector<1x16xi32>,
      %swap3A_57 = vector.shape_cast %swap3A_56 : vector<1x16xi32> to vector<16xi32>
      %swap3A_58 = vector.shape_cast %and3A_52 : vector<16xi32> to vector<1x16xi32>
      tpu.vector_store %arg13[%swap3A_54, %swap3A_55], %swap3A_58 {strides = array<i32>} : memref<1x96xi32, #tpu.memory_space<vmem>>, vector<1x16xi32>,
      %add3A_59 = vector.broadcast %mul3A_6 : i32 to vector<16xi32>
      %add3A_60 = arith.addi %get3A_36, %add3A_59 : vector<16xi32>
      %swap3A_61 = arith.constant 0 : i32
      %swap3A_62 = arith.index_cast %swap3A_61 : i32 to index
      %swap3A_63 = arith.constant 0 : index
      %swap3A_64 = tpu.vector_load %arg14[%swap3A_62, %swap3A_63] {strides = array<i32>} : memref<1x80xi32, #tpu.memory_space<vmem>>, vector<1x16xi32>,
      %swap3A_65 = vector.shape_cast %swap3A_64 : vector<1x16xi32> to vector<16xi32>
      %swap3A_66 = vector.shape_cast %add3A_60 : vector<16xi32> to vector<1x16xi32>
      tpu.vector_store %arg14[%swap3A_62, %swap3A_63], %swap3A_66 {strides = array<i32>} : memref<1x80xi32, #tpu.memory_space<vmem>>, vector<1x16xi32>,
      %shift_right_logical3A_67 = arith.constant 6 : i32
      %shift_right_logical3A_68 = vector.broadcast %shift_right_logical3A_67 : i32 to vector<16xi32>
      %shift_right_logical3A_69 = arith.shrui %get3A_36, %shift_right_logical3A_68 : vector<16xi32>
      %swap3A_70 = arith.constant 0 : i32
      %swap3A_71 = arith.index_cast %swap3A_70 : i32 to index
      %swap3A_72 = arith.constant 0 : index
      %swap3A_73 = tpu.vector_load %arg15[%swap3A_71, %swap3A_72] {strides = array<i32>} : memref<1x80xi32, #tpu.memory_space<vmem>>, vector<1x16xi32>,
      %swap3A_74 = vector.shape_cast %swap3A_73 : vector<1x16xi32> to vector<16xi32>
      %swap3A_75 = vector.shape_cast %shift_right_logical3A_69 : vector<16xi32> to vector<1x16xi32>
      tpu.vector_store %arg15[%swap3A_71, %swap3A_72], %swap3A_75 {strides = array<i32>} : memref<1x80xi32, #tpu.memory_space<vmem>>, vector<1x16xi32>,
      %get3A_76 = arith.constant 0 : i32
      %get3A_77 = arith.index_cast %get3A_76 : i32 to index
      %get3A_78 = arith.constant 16 : index
      %get3A_79 = tpu.vector_load %arg10[%get3A_77, %get3A_78] {strides = array<i32>} : memref<1x80xi32, #tpu.memory_space<vmem>>, vector<1x16xi32>,
      %get3A_80 = vector.shape_cast %get3A_79 : vector<1x16xi32> to vector<16xi32>
      %add3A_81 = vector.broadcast %mul3A_6 : i32 to vector<16xi32>
      %add3A_82 = arith.addi %get3A_80, %add3A_81 : vector<16xi32>
      %swap3A_83 = arith.constant 0 : i32
      %swap3A_84 = arith.index_cast %swap3A_83 : i32 to index
      %swap3A_85 = arith.constant 16 : index
      %swap3A_86 = tpu.vector_load %arg10[%swap3A_84, %swap3A_85] {strides = array<i32>} : memref<1x80xi32, #tpu.memory_space<vmem>>, vector<1x16xi32>,
      %swap3A_87 = vector.shape_cast %swap3A_86 : vector<1x16xi32> to vector<16xi32>
      %swap3A_88 = vector.shape_cast %add3A_82 : vector<16xi32> to vector<1x16xi32>
      tpu.vector_store %arg10[%swap3A_84, %swap3A_85], %swap3A_88 {strides = array<i32>} : memref<1x80xi32, #tpu.memory_space<vmem>>, vector<1x16xi32>,
      %get3A_89 = arith.constant 0 : i32
      %get3A_90 = arith.index_cast %get3A_89 : i32 to index
      %get3A_91 = arith.constant 16 : index
      %get3A_92 = tpu.vector_load %arg11[%get3A_90, %get3A_91] {strides = array<i32>} : memref<1x80xi32, #tpu.memory_space<vmem>>, vector<1x16xi32>,
      %get3A_93 = vector.shape_cast %get3A_92 : vector<1x16xi32> to vector<16xi32>
      %and3A_94 = arith.constant 7 : i32
      %and3A_95 = vector.broadcast %and3A_94 : i32 to vector<16xi32>
      %and3A_96 = arith.andi %get3A_93, %and3A_95 : vector<16xi32>
      %mul3A_97 = arith.constant 2 : i32
      %mul3A_98 = vector.broadcast %mul3A_97 : i32 to vector<16xi32>
      %mul3A_99 = arith.muli %and3A_96, %mul3A_98 : vector<16xi32>
      %swap3A_100 = arith.constant 0 : i32
      %swap3A_101 = arith.index_cast %swap3A_100 : i32 to index
      %swap3A_102 = arith.constant 16 : index
      %swap3A_103 = tpu.vector_load %arg12[%swap3A_101, %swap3A_102] {strides = array<i32>} : memref<1x96xi32, #tpu.memory_space<vmem>>, vector<1x16xi32>,
      %swap3A_104 = vector.shape_cast %swap3A_103 : vector<1x16xi32> to vector<16xi32>
      %swap3A_105 = vector.shape_cast %mul3A_99 : vector<16xi32> to vector<1x16xi32>
      tpu.vector_store %arg12[%swap3A_101, %swap3A_102], %swap3A_105 {strides = array<i32>} : memref<1x96xi32, #tpu.memory_space<vmem>>, vector<1x16xi32>,
      %shift_right_logical3A_106 = arith.constant 3 : i32
      %shift_right_logical3A_107 = vector.broadcast %shift_right_logical3A_106 : i32 to vector<16xi32>
      %shift_right_logical3A_108 = arith.shrui %get3A_93, %shift_right_logical3A_107 : vector<16xi32>
      %and3A_109 = arith.constant 7 : i32
      %and3A_110 = vector.broadcast %and3A_109 : i32 to vector<16xi32>
      %and3A_111 = arith.andi %shift_right_logical3A_108, %and3A_110 : vector<16xi32>
      %swap3A_112 = arith.constant 0 : i32
      %swap3A_113 = arith.index_cast %swap3A_112 : i32 to index
      %swap3A_114 = arith.constant 16 : index
      %swap3A_115 = tpu.vector_load %arg13[%swap3A_113, %swap3A_114] {strides = array<i32>} : memref<1x96xi32, #tpu.memory_space<vmem>>, vector<1x16xi32>,
      %swap3A_116 = vector.shape_cast %swap3A_115 : vector<1x16xi32> to vector<16xi32>
      %swap3A_117 = vector.shape_cast %and3A_111 : vector<16xi32> to vector<1x16xi32>
      tpu.vector_store %arg13[%swap3A_113, %swap3A_114], %swap3A_117 {strides = array<i32>} : memref<1x96xi32, #tpu.memory_space<vmem>>, vector<1x16xi32>,
      %add3A_118 = vector.broadcast %mul3A_6 : i32 to vector<16xi32>
      %add3A_119 = arith.addi %get3A_93, %add3A_118 : vector<16xi32>
      %swap3A_120 = arith.constant 0 : i32
      %swap3A_121 = arith.index_cast %swap3A_120 : i32 to index
      %swap3A_122 = arith.constant 16 : index
      %swap3A_123 = tpu.vector_load %arg14[%swap3A_121, %swap3A_122] {strides = array<i32>} : memref<1x80xi32, #tpu.memory_space<vmem>>, vector<1x16xi32>,
      %swap3A_124 = vector.shape_cast %swap3A_123 : vector<1x16xi32> to vector<16xi32>
      %swap3A_125 = vector.shape_cast %add3A_119 : vector<16xi32> to vector<1x16xi32>
      tpu.vector_store %arg14[%swap3A_121, %swap3A_122], %swap3A_125 {strides = array<i32>} : memref<1x80xi32, #tpu.memory_space<vmem>>, vector<1x16xi32>,
      %shift_right_logical3A_126 = arith.constant 6 : i32
      %shift_right_logical3A_127 = vector.broadcast %shift_right_logical3A_126 : i32 to vector<16xi32>
      %shift_right_logical3A_128 = arith.shrui %get3A_93, %shift_right_logical3A_127 : vector<16xi32>
      %swap3A_129 = arith.constant 0 : i32
      %swap3A_130 = arith.index_cast %swap3A_129 : i32 to index
      %swap3A_131 = arith.constant 16 : index
      %swap3A_132 = tpu.vector_load %arg15[%swap3A_130, %swap3A_131] {strides = array<i32>} : memref<1x80xi32, #tpu.memory_space<vmem>>, vector<1x16xi32>,
      %swap3A_133 = vector.shape_cast %swap3A_132 : vector<1x16xi32> to vector<16xi32>
      %swap3A_134 = vector.shape_cast %shift_right_logical3A_128 : vector<16xi32> to vector<1x16xi32>
      tpu.vector_store %arg15[%swap3A_130, %swap3A_131], %swap3A_134 {strides = array<i32>} : memref<1x80xi32, #tpu.memory_space<vmem>>, vector<1x16xi32>,
      %get3A_135 = arith.constant 0 : i32
      %get3A_136 = arith.index_cast %get3A_135 : i32 to index
      %get3A_137 = arith.constant 32 : index
      %get3A_138 = tpu.vector_load %arg10[%get3A_136, %get3A_137] {strides = array<i32>} : memref<1x80xi32, #tpu.memory_space<vmem>>, vector<1x16xi32>,
      %get3A_139 = vector.shape_cast %get3A_138 : vector<1x16xi32> to vector<16xi32>
      %add3A_140 = vector.broadcast %mul3A_6 : i32 to vector<16xi32>
      %add3A_141 = arith.addi %get3A_139, %add3A_140 : vector<16xi32>
      %swap3A_142 = arith.constant 0 : i32
      %swap3A_143 = arith.index_cast %swap3A_142 : i32 to index
      %swap3A_144 = arith.constant 32 : index
      %swap3A_145 = tpu.vector_load %arg10[%swap3A_143, %swap3A_144] {strides = array<i32>} : memref<1x80xi32, #tpu.memory_space<vmem>>, vector<1x16xi32>,
      %swap3A_146 = vector.shape_cast %swap3A_145 : vector<1x16xi32> to vector<16xi32>
      %swap3A_147 = vector.shape_cast %add3A_141 : vector<16xi32> to vector<1x16xi32>
      tpu.vector_store %arg10[%swap3A_143, %swap3A_144], %swap3A_147 {strides = array<i32>} : memref<1x80xi32, #tpu.memory_space<vmem>>, vector<1x16xi32>,
      %get3A_148 = arith.constant 0 : i32
      %get3A_149 = arith.index_cast %get3A_148 : i32 to index
      %get3A_150 = arith.constant 32 : index
      %get3A_151 = tpu.vector_load %arg11[%get3A_149, %get3A_150] {strides = array<i32>} : memref<1x80xi32, #tpu.memory_space<vmem>>, vector<1x16xi32>,
      %get3A_152 = vector.shape_cast %get3A_151 : vector<1x16xi32> to vector<16xi32>
      %and3A_153 = arith.constant 7 : i32
      %and3A_154 = vector.broadcast %and3A_153 : i32 to vector<16xi32>
      %and3A_155 = arith.andi %get3A_152, %and3A_154 : vector<16xi32>
      %mul3A_156 = arith.constant 2 : i32
      %mul3A_157 = vector.broadcast %mul3A_156 : i32 to vector<16xi32>
      %mul3A_158 = arith.muli %and3A_155, %mul3A_157 : vector<16xi32>
      %swap3A_159 = arith.constant 0 : i32
      %swap3A_160 = arith.index_cast %swap3A_159 : i32 to index
      %swap3A_161 = arith.constant 32 : index
      %swap3A_162 = tpu.vector_load %arg12[%swap3A_160, %swap3A_161] {strides = array<i32>} : memref<1x96xi32, #tpu.memory_space<vmem>>, vector<1x16xi32>,
      %swap3A_163 = vector.shape_cast %swap3A_162 : vector<1x16xi32> to vector<16xi32>
      %swap3A_164 = vector.shape_cast %mul3A_158 : vector<16xi32> to vector<1x16xi32>
      tpu.vector_store %arg12[%swap3A_160, %swap3A_161], %swap3A_164 {strides = array<i32>} : memref<1x96xi32, #tpu.memory_space<vmem>>, vector<1x16xi32>,
      %shift_right_logical3A_165 = arith.constant 3 : i32
      %shift_right_logical3A_166 = vector.broadcast %shift_right_logical3A_165 : i32 to vector<16xi32>
      %shift_right_logical3A_167 = arith.shrui %get3A_152, %shift_right_logical3A_166 : vector<16xi32>
      %and3A_168 = arith.constant 7 : i32
      %and3A_169 = vector.broadcast %and3A_168 : i32 to vector<16xi32>
      %and3A_170 = arith.andi %shift_right_logical3A_167, %and3A_169 : vector<16xi32>
      %swap3A_171 = arith.constant 0 : i32
      %swap3A_172 = arith.index_cast %swap3A_171 : i32 to index
      %swap3A_173 = arith.constant 32 : index
      %swap3A_174 = tpu.vector_load %arg13[%swap3A_172, %swap3A_173] {strides = array<i32>} : memref<1x96xi32, #tpu.memory_space<vmem>>, vector<1x16xi32>,
      %swap3A_175 = vector.shape_cast %swap3A_174 : vector<1x16xi32> to vector<16xi32>
      %swap3A_176 = vector.shape_cast %and3A_170 : vector<16xi32> to vector<1x16xi32>
      tpu.vector_store %arg13[%swap3A_172, %swap3A_173], %swap3A_176 {strides = array<i32>} : memref<1x96xi32, #tpu.memory_space<vmem>>, vector<1x16xi32>,
      %add3A_177 = vector.broadcast %mul3A_6 : i32 to vector<16xi32>
      %add3A_178 = arith.addi %get3A_152, %add3A_177 : vector<16xi32>
      %swap3A_179 = arith.constant 0 : i32
      %swap3A_180 = arith.index_cast %swap3A_179 : i32 to index
      %swap3A_181 = arith.constant 32 : index
      %swap3A_182 = tpu.vector_load %arg14[%swap3A_180, %swap3A_181] {strides = array<i32>} : memref<1x80xi32, #tpu.memory_space<vmem>>, vector<1x16xi32>,
      %swap3A_183 = vector.shape_cast %swap3A_182 : vector<1x16xi32> to vector<16xi32>
      %swap3A_184 = vector.shape_cast %add3A_178 : vector<16xi32> to vector<1x16xi32>
      tpu.vector_store %arg14[%swap3A_180, %swap3A_181], %swap3A_184 {strides = array<i32>} : memref<1x80xi32, #tpu.memory_space<vmem>>, vector<1x16xi32>,
      %shift_right_logical3A_185 = arith.constant 6 : i32
      %shift_right_logical3A_186 = vector.broadcast %shift_right_logical3A_185 : i32 to vector<16xi32>
      %shift_right_logical3A_187 = arith.shrui %get3A_152, %shift_right_logical3A_186 : vector<16xi32>
      %swap3A_188 = arith.constant 0 : i32
      %swap3A_189 = arith.index_cast %swap3A_188 : i32 to index
      %swap3A_190 = arith.constant 32 : index
      %swap3A_191 = tpu.vector_load %arg15[%swap3A_189, %swap3A_190] {strides = array<i32>} : memref<1x80xi32, #tpu.memory_space<vmem>>, vector<1x16xi32>,
      %swap3A_192 = vector.shape_cast %swap3A_191 : vector<1x16xi32> to vector<16xi32>
      %swap3A_193 = vector.shape_cast %shift_right_logical3A_187 : vector<16xi32> to vector<1x16xi32>
      tpu.vector_store %arg15[%swap3A_189, %swap3A_190], %swap3A_193 {strides = array<i32>} : memref<1x80xi32, #tpu.memory_space<vmem>>, vector<1x16xi32>,
      %get3A_194 = arith.constant 0 : i32
      %get3A_195 = arith.index_cast %get3A_194 : i32 to index
      %get3A_196 = arith.constant 48 : index
      %get3A_197 = tpu.vector_load %arg10[%get3A_195, %get3A_196] {strides = array<i32>} : memref<1x80xi32, #tpu.memory_space<vmem>>, vector<1x16xi32>,
      %get3A_198 = vector.shape_cast %get3A_197 : vector<1x16xi32> to vector<16xi32>
      %add3A_199 = vector.broadcast %mul3A_6 : i32 to vector<16xi32>
      %add3A_200 = arith.addi %get3A_198, %add3A_199 : vector<16xi32>
      %swap3A_201 = arith.constant 0 : i32
      %swap3A_202 = arith.index_cast %swap3A_201 : i32 to index
      %swap3A_203 = arith.constant 48 : index
      %swap3A_204 = tpu.vector_load %arg10[%swap3A_202, %swap3A_203] {strides = array<i32>} : memref<1x80xi32, #tpu.memory_space<vmem>>, vector<1x16xi32>,
      %swap3A_205 = vector.shape_cast %swap3A_204 : vector<1x16xi32> to vector<16xi32>
      %swap3A_206 = vector.shape_cast %add3A_200 : vector<16xi32> to vector<1x16xi32>
      tpu.vector_store %arg10[%swap3A_202, %swap3A_203], %swap3A_206 {strides = array<i32>} : memref<1x80xi32, #tpu.memory_space<vmem>>, vector<1x16xi32>,
      %get3A_207 = arith.constant 0 : i32
      %get3A_208 = arith.index_cast %get3A_207 : i32 to index
      %get3A_209 = arith.constant 48 : index
      %get3A_210 = tpu.vector_load %arg11[%get3A_208, %get3A_209] {strides = array<i32>} : memref<1x80xi32, #tpu.memory_space<vmem>>, vector<1x16xi32>,
      %get3A_211 = vector.shape_cast %get3A_210 : vector<1x16xi32> to vector<16xi32>
      %and3A_212 = arith.constant 7 : i32
      %and3A_213 = vector.broadcast %and3A_212 : i32 to vector<16xi32>
      %and3A_214 = arith.andi %get3A_211, %and3A_213 : vector<16xi32>
      %mul3A_215 = arith.constant 2 : i32
      %mul3A_216 = vector.broadcast %mul3A_215 : i32 to vector<16xi32>
      %mul3A_217 = arith.muli %and3A_214, %mul3A_216 : vector<16xi32>
      %swap3A_218 = arith.constant 0 : i32
      %swap3A_219 = arith.index_cast %swap3A_218 : i32 to index
      %swap3A_220 = arith.constant 48 : index
      %swap3A_221 = tpu.vector_load %arg12[%swap3A_219, %swap3A_220] {strides = array<i32>} : memref<1x96xi32, #tpu.memory_space<vmem>>, vector<1x16xi32>,
      %swap3A_222 = vector.shape_cast %swap3A_221 : vector<1x16xi32> to vector<16xi32>
      %swap3A_223 = vector.shape_cast %mul3A_217 : vector<16xi32> to vector<1x16xi32>
      tpu.vector_store %arg12[%swap3A_219, %swap3A_220], %swap3A_223 {strides = array<i32>} : memref<1x96xi32, #tpu.memory_space<vmem>>, vector<1x16xi32>,
      %shift_right_logical3A_224 = arith.constant 3 : i32
      %shift_right_logical3A_225 = vector.broadcast %shift_right_logical3A_224 : i32 to vector<16xi32>
      %shift_right_logical3A_226 = arith.shrui %get3A_211, %shift_right_logical3A_225 : vector<16xi32>
      %and3A_227 = arith.constant 7 : i32
      %and3A_228 = vector.broadcast %and3A_227 : i32 to vector<16xi32>
      %and3A_229 = arith.andi %shift_right_logical3A_226, %and3A_228 : vector<16xi32>
      %swap3A_230 = arith.constant 0 : i32
      %swap3A_231 = arith.index_cast %swap3A_230 : i32 to index
      %swap3A_232 = arith.constant 48 : index
      %swap3A_233 = tpu.vector_load %arg13[%swap3A_231, %swap3A_232] {strides = array<i32>} : memref<1x96xi32, #tpu.memory_space<vmem>>, vector<1x16xi32>,
      %swap3A_234 = vector.shape_cast %swap3A_233 : vector<1x16xi32> to vector<16xi32>
      %swap3A_235 = vector.shape_cast %and3A_229 : vector<16xi32> to vector<1x16xi32>
      tpu.vector_store %arg13[%swap3A_231, %swap3A_232], %swap3A_235 {strides = array<i32>} : memref<1x96xi32, #tpu.memory_space<vmem>>, vector<1x16xi32>,
      %add3A_236 = vector.broadcast %mul3A_6 : i32 to vector<16xi32>
      %add3A_237 = arith.addi %get3A_211, %add3A_236 : vector<16xi32>
      %swap3A_238 = arith.constant 0 : i32
      %swap3A_239 = arith.index_cast %swap3A_238 : i32 to index
      %swap3A_240 = arith.constant 48 : index
      %swap3A_241 = tpu.vector_load %arg14[%swap3A_239, %swap3A_240] {strides = array<i32>} : memref<1x80xi32, #tpu.memory_space<vmem>>, vector<1x16xi32>,
      %swap3A_242 = vector.shape_cast %swap3A_241 : vector<1x16xi32> to vector<16xi32>
      %swap3A_243 = vector.shape_cast %add3A_237 : vector<16xi32> to vector<1x16xi32>
      tpu.vector_store %arg14[%swap3A_239, %swap3A_240], %swap3A_243 {strides = array<i32>} : memref<1x80xi32, #tpu.memory_space<vmem>>, vector<1x16xi32>,
      %shift_right_logical3A_244 = arith.constant 6 : i32
      %shift_right_logical3A_245 = vector.broadcast %shift_right_logical3A_244 : i32 to vector<16xi32>
      %shift_right_logical3A_246 = arith.shrui %get3A_211, %shift_right_logical3A_245 : vector<16xi32>
      %swap3A_247 = arith.constant 0 : i32
      %swap3A_248 = arith.index_cast %swap3A_247 : i32 to index
      %swap3A_249 = arith.constant 48 : index
      %swap3A_250 = tpu.vector_load %arg15[%swap3A_248, %swap3A_249] {strides = array<i32>} : memref<1x80xi32, #tpu.memory_space<vmem>>, vector<1x16xi32>,
      %swap3A_251 = vector.shape_cast %swap3A_250 : vector<1x16xi32> to vector<16xi32>
      %swap3A_252 = vector.shape_cast %shift_right_logical3A_246 : vector<16xi32> to vector<1x16xi32>
      tpu.vector_store %arg15[%swap3A_248, %swap3A_249], %swap3A_252 {strides = array<i32>} : memref<1x80xi32, #tpu.memory_space<vmem>>, vector<1x16xi32>,
      %get3A_253 = arith.constant 0 : i32
      %get3A_254 = arith.index_cast %get3A_253 : i32 to index
      %get3A_255 = arith.constant 64 : index
      %get3A_256 = tpu.vector_load %arg10[%get3A_254, %get3A_255] {strides = array<i32>} : memref<1x80xi32, #tpu.memory_space<vmem>>, vector<1x16xi32>,
      %get3A_257 = vector.shape_cast %get3A_256 : vector<1x16xi32> to vector<16xi32>
      %add3A_258 = vector.broadcast %mul3A_6 : i32 to vector<16xi32>
      %add3A_259 = arith.addi %get3A_257, %add3A_258 : vector<16xi32>
      %swap3A_260 = arith.constant 0 : i32
      %swap3A_261 = arith.index_cast %swap3A_260 : i32 to index
      %swap3A_262 = arith.constant 64 : index
      %swap3A_263 = tpu.vector_load %arg10[%swap3A_261, %swap3A_262] {strides = array<i32>} : memref<1x80xi32, #tpu.memory_space<vmem>>, vector<1x16xi32>,
      %swap3A_264 = vector.shape_cast %swap3A_263 : vector<1x16xi32> to vector<16xi32>
      %swap3A_265 = vector.shape_cast %add3A_259 : vector<16xi32> to vector<1x16xi32>
      tpu.vector_store %arg10[%swap3A_261, %swap3A_262], %swap3A_265 {strides = array<i32>} : memref<1x80xi32, #tpu.memory_space<vmem>>, vector<1x16xi32>,
      %get3A_266 = arith.constant 0 : i32
      %get3A_267 = arith.index_cast %get3A_266 : i32 to index
      %get3A_268 = arith.constant 64 : index
      %get3A_269 = tpu.vector_load %arg11[%get3A_267, %get3A_268] {strides = array<i32>} : memref<1x80xi32, #tpu.memory_space<vmem>>, vector<1x16xi32>,
      %get3A_270 = vector.shape_cast %get3A_269 : vector<1x16xi32> to vector<16xi32>
      %and3A_271 = arith.constant 7 : i32
      %and3A_272 = vector.broadcast %and3A_271 : i32 to vector<16xi32>
      %and3A_273 = arith.andi %get3A_270, %and3A_272 : vector<16xi32>
      %mul3A_274 = arith.constant 2 : i32
      %mul3A_275 = vector.broadcast %mul3A_274 : i32 to vector<16xi32>
      %mul3A_276 = arith.muli %and3A_273, %mul3A_275 : vector<16xi32>
      %swap3A_277 = arith.constant 0 : i32
      %swap3A_278 = arith.index_cast %swap3A_277 : i32 to index
      %swap3A_279 = arith.constant 64 : index
      %swap3A_280 = tpu.vector_load %arg12[%swap3A_278, %swap3A_279] {strides = array<i32>} : memref<1x96xi32, #tpu.memory_space<vmem>>, vector<1x16xi32>,
      %swap3A_281 = vector.shape_cast %swap3A_280 : vector<1x16xi32> to vector<16xi32>
      %swap3A_282 = vector.shape_cast %mul3A_276 : vector<16xi32> to vector<1x16xi32>
      tpu.vector_store %arg12[%swap3A_278, %swap3A_279], %swap3A_282 {strides = array<i32>} : memref<1x96xi32, #tpu.memory_space<vmem>>, vector<1x16xi32>,
      %shift_right_logical3A_283 = arith.constant 3 : i32
      %shift_right_logical3A_284 = vector.broadcast %shift_right_logical3A_283 : i32 to vector<16xi32>
      %shift_right_logical3A_285 = arith.shrui %get3A_270, %shift_right_logical3A_284 : vector<16xi32>
      %and3A_286 = arith.constant 7 : i32
      %and3A_287 = vector.broadcast %and3A_286 : i32 to vector<16xi32>
      %and3A_288 = arith.andi %shift_right_logical3A_285, %and3A_287 : vector<16xi32>
      %swap3A_289 = arith.constant 0 : i32
      %swap3A_290 = arith.index_cast %swap3A_289 : i32 to index
      %swap3A_291 = arith.constant 64 : index
      %swap3A_292 = tpu.vector_load %arg13[%swap3A_290, %swap3A_291] {strides = array<i32>} : memref<1x96xi32, #tpu.memory_space<vmem>>, vector<1x16xi32>,
      %swap3A_293 = vector.shape_cast %swap3A_292 : vector<1x16xi32> to vector<16xi32>
      %swap3A_294 = vector.shape_cast %and3A_288 : vector<16xi32> to vector<1x16xi32>
      tpu.vector_store %arg13[%swap3A_290, %swap3A_291], %swap3A_294 {strides = array<i32>} : memref<1x96xi32, #tpu.memory_space<vmem>>, vector<1x16xi32>,
      %add3A_295 = vector.broadcast %mul3A_6 : i32 to vector<16xi32>
      %add3A_296 = arith.addi %get3A_270, %add3A_295 : vector<16xi32>
      %swap3A_297 = arith.constant 0 : i32
      %swap3A_298 = arith.index_cast %swap3A_297 : i32 to index
      %swap3A_299 = arith.constant 64 : index
      %swap3A_300 = tpu.vector_load %arg14[%swap3A_298, %swap3A_299] {strides = array<i32>} : memref<1x80xi32, #tpu.memory_space<vmem>>, vector<1x16xi32>,
      %swap3A_301 = vector.shape_cast %swap3A_300 : vector<1x16xi32> to vector<16xi32>
      %swap3A_302 = vector.shape_cast %add3A_296 : vector<16xi32> to vector<1x16xi32>
      tpu.vector_store %arg14[%swap3A_298, %swap3A_299], %swap3A_302 {strides = array<i32>} : memref<1x80xi32, #tpu.memory_space<vmem>>, vector<1x16xi32>,
      %shift_right_logical3A_303 = arith.constant 6 : i32
      %shift_right_logical3A_304 = vector.broadcast %shift_right_logical3A_303 : i32 to vector<16xi32>
      %shift_right_logical3A_305 = arith.shrui %get3A_270, %shift_right_logical3A_304 : vector<16xi32>
      %swap3A_306 = arith.constant 0 : i32
      %swap3A_307 = arith.index_cast %swap3A_306 : i32 to index
      %swap3A_308 = arith.constant 64 : index
      %swap3A_309 = tpu.vector_load %arg15[%swap3A_307, %swap3A_308] {strides = array<i32>} : memref<1x80xi32, #tpu.memory_space<vmem>>, vector<1x16xi32>,
      %swap3A_310 = vector.shape_cast %swap3A_309 : vector<1x16xi32> to vector<16xi32>
      %swap3A_311 = vector.shape_cast %shift_right_logical3A_305 : vector<16xi32> to vector<1x16xi32>
      tpu.vector_store %arg15[%swap3A_307, %swap3A_308], %swap3A_311 {strides = array<i32>} : memref<1x80xi32, #tpu.memory_space<vmem>>, vector<1x16xi32>,
      %dma_start3A = arith.constant 0 : i32
      %dma_start3A_312 = arith.constant 0 : i32
      %dma_start3A_313 = tpu.memref_slice %arg10[%dma_start3A, %dma_start3A_312] : memref<1x80xi32, #tpu.memory_space<vmem>> -> memref<1x80xi32, #tpu.memory_space<vmem>>
      %dma_start3A_314 = tpu.memref_squeeze %dma_start3A_313 : memref<1x80xi32, #tpu.memory_space<vmem>> -> memref<80xi32, #tpu.memory_space<vmem>>
      %dma_start3A_315 = arith.constant 0 : i32
      %dma_start3A_316 = arith.constant 0 : i32
      %dma_start3A_317 = tpu.memref_slice %arg2[%dma_start3A_315, %dma_start3A_316] : memref<20000x128xf32, #tpu.memory_space<hbm>> -> memref<20000x128xf32, #tpu.memory_space<hbm>>
      tpu.enqueue_indirect_dma source(%dma_start3A_317 : memref<20000x128xf32, #tpu.memory_space<hbm>>) target(%arg16 : memref<80x128xf32, #tpu.memory_space<vmem>>) offsets(%dma_start3A_314 : memref<80xi32, #tpu.memory_space<vmem>>) semaphore(%arg23 : memref<!tpu.dma_semaphore, #tpu.memory_space<semaphore_mem>>)
      %dma_start3A_318 = arith.constant 0 : i32
      %dma_start3A_319 = arith.constant 0 : i32
      %dma_start3A_320 = tpu.memref_slice %arg14[%dma_start3A_318, %dma_start3A_319] : memref<1x80xi32, #tpu.memory_space<vmem>> -> memref<1x80xi32, #tpu.memory_space<vmem>>
      %dma_start3A_321 = tpu.memref_squeeze %dma_start3A_320 : memref<1x80xi32, #tpu.memory_space<vmem>> -> memref<80xi32, #tpu.memory_space<vmem>>
      %dma_start3A_322 = arith.constant 0 : i32
      %dma_start3A_323 = arith.constant 0 : i32
      %dma_start3A_324 = tpu.memref_slice %arg3[%dma_start3A_322, %dma_start3A_323] : memref<20000x128xf32, #tpu.memory_space<hbm>> -> memref<20000x128xf32, #tpu.memory_space<hbm>>
      tpu.enqueue_indirect_dma source(%dma_start3A_324 : memref<20000x128xf32, #tpu.memory_space<hbm>>) target(%arg17 : memref<80x128xf32, #tpu.memory_space<vmem>>) offsets(%dma_start3A_321 : memref<80xi32, #tpu.memory_space<vmem>>) semaphore(%arg23 : memref<!tpu.dma_semaphore, #tpu.memory_space<semaphore_mem>>)
      %dma_wait3A = arith.constant 0 : i32
      %dma_wait3A_325 = arith.constant 0 : i32
      %dma_wait3A_326 = tpu.memref_slice %arg10[%dma_wait3A, %dma_wait3A_325] : memref<1x80xi32, #tpu.memory_space<vmem>> -> memref<1x80xi32, #tpu.memory_space<vmem>>
      %dma_wait3A_327 = tpu.memref_squeeze %dma_wait3A_326 : memref<1x80xi32, #tpu.memory_space<vmem>> -> memref<80xi32, #tpu.memory_space<vmem>>
      %dma_wait3A_328 = arith.constant 0 : i32
      %dma_wait3A_329 = arith.constant 0 : i32
      %dma_wait3A_330 = tpu.memref_slice %arg2[%dma_wait3A_328, %dma_wait3A_329] : memref<20000x128xf32, #tpu.memory_space<hbm>> -> memref<20000x128xf32, #tpu.memory_space<hbm>>
      tpu.wait_indirect_dma semaphore(%arg23 : memref<!tpu.dma_semaphore, #tpu.memory_space<semaphore_mem>>) src(%dma_wait3A_330 : memref<20000x128xf32, #tpu.memory_space<hbm>>) dst(%arg16 : memref<80x128xf32, #tpu.memory_space<vmem>>)
      %dma_wait3A_331 = arith.constant 0 : i32
      %dma_wait3A_332 = arith.constant 0 : i32
      %dma_wait3A_333 = tpu.memref_slice %arg14[%dma_wait3A_331, %dma_wait3A_332] : memref<1x80xi32, #tpu.memory_space<vmem>> -> memref<1x80xi32, #tpu.memory_space<vmem>>
      %dma_wait3A_334 = tpu.memref_squeeze %dma_wait3A_333 : memref<1x80xi32, #tpu.memory_space<vmem>> -> memref<80xi32, #tpu.memory_space<vmem>>
      %dma_wait3A_335 = arith.constant 0 : i32
      %dma_wait3A_336 = arith.constant 0 : i32
      %dma_wait3A_337 = tpu.memref_slice %arg3[%dma_wait3A_335, %dma_wait3A_336] : memref<20000x128xf32, #tpu.memory_space<hbm>> -> memref<20000x128xf32, #tpu.memory_space<hbm>>
      tpu.wait_indirect_dma semaphore(%arg23 : memref<!tpu.dma_semaphore, #tpu.memory_space<semaphore_mem>>) src(%dma_wait3A_337 : memref<20000x128xf32, #tpu.memory_space<hbm>>) dst(%arg17 : memref<80x128xf32, #tpu.memory_space<vmem>>)
      %scan3A_338 = arith.constant 0 : i32
      %scan3A_339 = arith.constant 0 : i32
      %scan3A_340 = arith.constant 80 : i32
      %scan3A_341 = arith.addi %scan3A_339, %scan3A_340 : i32
      %scan3A_342 = arith.constant 1 : i32
      scf.for %scan3A_346 = %scan3A_339 to %scan3A_341 step %scan3A_342  : i32 {
        %get3A_347 = arith.index_cast %scan3A_346 : i32 to index
        %get3A_348 = arith.constant 0 : index
        %get3A_349 = tpu.vector_load %arg16[%get3A_347, %get3A_348] {strides = array<i32>} : memref<80x128xf32, #tpu.memory_space<vmem>>, vector<1x16xf32>,
        %get3A_350 = vector.shape_cast %get3A_349 : vector<1x16xf32> to vector<16xf32>
        %get3A_351 = arith.index_cast %scan3A_346 : i32 to index
        %get3A_352 = arith.constant 0 : index
        %get3A_353 = tpu.vector_load %arg17[%get3A_351, %get3A_352] {strides = array<i32>} : memref<80x128xf32, #tpu.memory_space<vmem>>, vector<1x16xf32>,
        %get3A_354 = vector.shape_cast %get3A_353 : vector<1x16xf32> to vector<16xf32>
        %add3A_355 = arith.addf %get3A_350, %get3A_354 : vector<16xf32>
        %mul3A_356 = arith.constant 2.000000e-01 : f32
        %mul3A_357 = vector.broadcast %mul3A_356 : f32 to vector<16xf32>
        %mul3A_358 = arith.mulf %mul3A_357, %add3A_355 : vector<16xf32>
        %max3A = arith.maximumf %add3A_355, %mul3A_358 : vector<16xf32>
        %get3A_359 = arith.constant 0 : i32
        %get3A_360 = arith.index_cast %get3A_359 : i32 to index
        %get3A_361 = arith.constant 0 : index
        %get3A_362 = tpu.vector_load %arg20[%get3A_360, %get3A_361] {strides = array<i32>} : memref<8x16xf32, #tpu.memory_space<vmem>>, vector<1x16xf32>,
        %get3A_363 = vector.shape_cast %get3A_362 : vector<1x16xf32> to vector<16xf32>
        %mul3A_364 = arith.mulf %max3A, %get3A_363 : vector<16xf32>
        %get3A_365 = arith.index_cast %scan3A_346 : i32 to index
        %get3A_366 = arith.constant 16 : index
        %get3A_367 = tpu.vector_load %arg16[%get3A_365, %get3A_366] {strides = array<i32>} : memref<80x128xf32, #tpu.memory_space<vmem>>, vector<1x16xf32>,
        %get3A_368 = vector.shape_cast %get3A_367 : vector<1x16xf32> to vector<16xf32>
        %get3A_369 = arith.index_cast %scan3A_346 : i32 to index
        %get3A_370 = arith.constant 16 : index
        %get3A_371 = tpu.vector_load %arg17[%get3A_369, %get3A_370] {strides = array<i32>} : memref<80x128xf32, #tpu.memory_space<vmem>>, vector<1x16xf32>,
        %get3A_372 = vector.shape_cast %get3A_371 : vector<1x16xf32> to vector<16xf32>
        %add3A_373 = arith.addf %get3A_368, %get3A_372 : vector<16xf32>
        %mul3A_374 = arith.constant 2.000000e-01 : f32
        %mul3A_375 = vector.broadcast %mul3A_374 : f32 to vector<16xf32>
        %mul3A_376 = arith.mulf %mul3A_375, %add3A_373 : vector<16xf32>
        %max3A_377 = arith.maximumf %add3A_373, %mul3A_376 : vector<16xf32>
        %get3A_378 = arith.constant 1 : i32
        %get3A_379 = arith.index_cast %get3A_378 : i32 to index
        %get3A_380 = arith.constant 0 : index
        %get3A_381 = tpu.vector_load %arg20[%get3A_379, %get3A_380] {strides = array<i32>} : memref<8x16xf32, #tpu.memory_space<vmem>>, vector<1x16xf32>,
        %get3A_382 = vector.shape_cast %get3A_381 : vector<1x16xf32> to vector<16xf32>
        %mul3A_383 = arith.mulf %max3A_377, %get3A_382 : vector<16xf32>
        %add3A_384 = arith.addf %mul3A_364, %mul3A_383 : vector<16xf32>
        %get3A_385 = arith.index_cast %scan3A_346 : i32 to index
        %get3A_386 = arith.constant 32 : index
        %get3A_387 = tpu.vector_load %arg16[%get3A_385, %get3A_386] {strides = array<i32>} : memref<80x128xf32, #tpu.memory_space<vmem>>, vector<1x16xf32>,
        %get3A_388 = vector.shape_cast %get3A_387 : vector<1x16xf32> to vector<16xf32>
        %get3A_389 = arith.index_cast %scan3A_346 : i32 to index
        %get3A_390 = arith.constant 32 : index
        %get3A_391 = tpu.vector_load %arg17[%get3A_389, %get3A_390] {strides = array<i32>} : memref<80x128xf32, #tpu.memory_space<vmem>>, vector<1x16xf32>,
        %get3A_392 = vector.shape_cast %get3A_391 : vector<1x16xf32> to vector<16xf32>
        %add3A_393 = arith.addf %get3A_388, %get3A_392 : vector<16xf32>
        %mul3A_394 = arith.constant 2.000000e-01 : f32
        %mul3A_395 = vector.broadcast %mul3A_394 : f32 to vector<16xf32>
        %mul3A_396 = arith.mulf %mul3A_395, %add3A_393 : vector<16xf32>
        %max3A_397 = arith.maximumf %add3A_393, %mul3A_396 : vector<16xf32>
        %get3A_398 = arith.constant 2 : i32
        %get3A_399 = arith.index_cast %get3A_398 : i32 to index
        %get3A_400 = arith.constant 0 : index
        %get3A_401 = tpu.vector_load %arg20[%get3A_399, %get3A_400] {strides = array<i32>} : memref<8x16xf32, #tpu.memory_space<vmem>>, vector<1x16xf32>,
        %get3A_402 = vector.shape_cast %get3A_401 : vector<1x16xf32> to vector<16xf32>
        %mul3A_403 = arith.mulf %max3A_397, %get3A_402 : vector<16xf32>
        %add3A_404 = arith.addf %add3A_384, %mul3A_403 : vector<16xf32>
        %get3A_405 = arith.index_cast %scan3A_346 : i32 to index
        %get3A_406 = arith.constant 48 : index
        %get3A_407 = tpu.vector_load %arg16[%get3A_405, %get3A_406] {strides = array<i32>} : memref<80x128xf32, #tpu.memory_space<vmem>>, vector<1x16xf32>,
        %get3A_408 = vector.shape_cast %get3A_407 : vector<1x16xf32> to vector<16xf32>
        %get3A_409 = arith.index_cast %scan3A_346 : i32 to index
        %get3A_410 = arith.constant 48 : index
        %get3A_411 = tpu.vector_load %arg17[%get3A_409, %get3A_410] {strides = array<i32>} : memref<80x128xf32, #tpu.memory_space<vmem>>, vector<1x16xf32>,
        %get3A_412 = vector.shape_cast %get3A_411 : vector<1x16xf32> to vector<16xf32>
        %add3A_413 = arith.addf %get3A_408, %get3A_412 : vector<16xf32>
        %mul3A_414 = arith.constant 2.000000e-01 : f32
        %mul3A_415 = vector.broadcast %mul3A_414 : f32 to vector<16xf32>
        %mul3A_416 = arith.mulf %mul3A_415, %add3A_413 : vector<16xf32>
        %max3A_417 = arith.maximumf %add3A_413, %mul3A_416 : vector<16xf32>
        %get3A_418 = arith.constant 3 : i32
        %get3A_419 = arith.index_cast %get3A_418 : i32 to index
        %get3A_420 = arith.constant 0 : index
        %get3A_421 = tpu.vector_load %arg20[%get3A_419, %get3A_420] {strides = array<i32>} : memref<8x16xf32, #tpu.memory_space<vmem>>, vector<1x16xf32>,
        %get3A_422 = vector.shape_cast %get3A_421 : vector<1x16xf32> to vector<16xf32>
        %mul3A_423 = arith.mulf %max3A_417, %get3A_422 : vector<16xf32>
        %add3A_424 = arith.addf %add3A_404, %mul3A_423 : vector<16xf32>
        %get3A_425 = arith.index_cast %scan3A_346 : i32 to index
        %get3A_426 = arith.constant 64 : index
        %get3A_427 = tpu.vector_load %arg16[%get3A_425, %get3A_426] {strides = array<i32>} : memref<80x128xf32, #tpu.memory_space<vmem>>, vector<1x16xf32>,
        %get3A_428 = vector.shape_cast %get3A_427 : vector<1x16xf32> to vector<16xf32>
        %get3A_429 = arith.index_cast %scan3A_346 : i32 to index
        %get3A_430 = arith.constant 64 : index
        %get3A_431 = tpu.vector_load %arg17[%get3A_429, %get3A_430] {strides = array<i32>} : memref<80x128xf32, #tpu.memory_space<vmem>>, vector<1x16xf32>,
        %get3A_432 = vector.shape_cast %get3A_431 : vector<1x16xf32> to vector<16xf32>
        %add3A_433 = arith.addf %get3A_428, %get3A_432 : vector<16xf32>
        %mul3A_434 = arith.constant 2.000000e-01 : f32
        %mul3A_435 = vector.broadcast %mul3A_434 : f32 to vector<16xf32>
        %mul3A_436 = arith.mulf %mul3A_435, %add3A_433 : vector<16xf32>
        %max3A_437 = arith.maximumf %add3A_433, %mul3A_436 : vector<16xf32>
        %get3A_438 = arith.constant 4 : i32
        %get3A_439 = arith.index_cast %get3A_438 : i32 to index
        %get3A_440 = arith.constant 0 : index
        %get3A_441 = tpu.vector_load %arg20[%get3A_439, %get3A_440] {strides = array<i32>} : memref<8x16xf32, #tpu.memory_space<vmem>>, vector<1x16xf32>,
        %get3A_442 = vector.shape_cast %get3A_441 : vector<1x16xf32> to vector<16xf32>
        %mul3A_443 = arith.mulf %max3A_437, %get3A_442 : vector<16xf32>
        %get3A_444 = arith.index_cast %scan3A_346 : i32 to index
        %get3A_445 = arith.constant 80 : index
        %get3A_446 = tpu.vector_load %arg16[%get3A_444, %get3A_445] {strides = array<i32>} : memref<80x128xf32, #tpu.memory_space<vmem>>, vector<1x16xf32>,
        %get3A_447 = vector.shape_cast %get3A_446 : vector<1x16xf32> to vector<16xf32>
        %get3A_448 = arith.index_cast %scan3A_346 : i32 to index
        %get3A_449 = arith.constant 80 : index
        %get3A_450 = tpu.vector_load %arg17[%get3A_448, %get3A_449] {strides = array<i32>} : memref<80x128xf32, #tpu.memory_space<vmem>>, vector<1x16xf32>,
        %get3A_451 = vector.shape_cast %get3A_450 : vector<1x16xf32> to vector<16xf32>
        %add3A_452 = arith.addf %get3A_447, %get3A_451 : vector<16xf32>
        %mul3A_453 = arith.constant 2.000000e-01 : f32
        %mul3A_454 = vector.broadcast %mul3A_453 : f32 to vector<16xf32>
        %mul3A_455 = arith.mulf %mul3A_454, %add3A_452 : vector<16xf32>
        %max3A_456 = arith.maximumf %add3A_452, %mul3A_455 : vector<16xf32>
        %get3A_457 = arith.constant 5 : i32
        %get3A_458 = arith.index_cast %get3A_457 : i32 to index
        %get3A_459 = arith.constant 0 : index
        %get3A_460 = tpu.vector_load %arg20[%get3A_458, %get3A_459] {strides = array<i32>} : memref<8x16xf32, #tpu.memory_space<vmem>>, vector<1x16xf32>,
        %get3A_461 = vector.shape_cast %get3A_460 : vector<1x16xf32> to vector<16xf32>
        %mul3A_462 = arith.mulf %max3A_456, %get3A_461 : vector<16xf32>
        %add3A_463 = arith.addf %mul3A_443, %mul3A_462 : vector<16xf32>
        %get3A_464 = arith.index_cast %scan3A_346 : i32 to index
        %get3A_465 = arith.constant 96 : index
        %get3A_466 = tpu.vector_load %arg16[%get3A_464, %get3A_465] {strides = array<i32>} : memref<80x128xf32, #tpu.memory_space<vmem>>, vector<1x16xf32>,
        %get3A_467 = vector.shape_cast %get3A_466 : vector<1x16xf32> to vector<16xf32>
        %get3A_468 = arith.index_cast %scan3A_346 : i32 to index
        %get3A_469 = arith.constant 96 : index
        %get3A_470 = tpu.vector_load %arg17[%get3A_468, %get3A_469] {strides = array<i32>} : memref<80x128xf32, #tpu.memory_space<vmem>>, vector<1x16xf32>,
        %get3A_471 = vector.shape_cast %get3A_470 : vector<1x16xf32> to vector<16xf32>
        %add3A_472 = arith.addf %get3A_467, %get3A_471 : vector<16xf32>
        %mul3A_473 = arith.constant 2.000000e-01 : f32
        %mul3A_474 = vector.broadcast %mul3A_473 : f32 to vector<16xf32>
        %mul3A_475 = arith.mulf %mul3A_474, %add3A_472 : vector<16xf32>
        %max3A_476 = arith.maximumf %add3A_472, %mul3A_475 : vector<16xf32>
        %get3A_477 = arith.constant 6 : i32
        %get3A_478 = arith.index_cast %get3A_477 : i32 to index
        %get3A_479 = arith.constant 0 : index
        %get3A_480 = tpu.vector_load %arg20[%get3A_478, %get3A_479] {strides = array<i32>} : memref<8x16xf32, #tpu.memory_space<vmem>>, vector<1x16xf32>,
        %get3A_481 = vector.shape_cast %get3A_480 : vector<1x16xf32> to vector<16xf32>
        %mul3A_482 = arith.mulf %max3A_476, %get3A_481 : vector<16xf32>
        %add3A_483 = arith.addf %add3A_463, %mul3A_482 : vector<16xf32>
        %get3A_484 = arith.index_cast %scan3A_346 : i32 to index
        %get3A_485 = arith.constant 112 : index
        %get3A_486 = tpu.vector_load %arg16[%get3A_484, %get3A_485] {strides = array<i32>} : memref<80x128xf32, #tpu.memory_space<vmem>>, vector<1x16xf32>,
        %get3A_487 = vector.shape_cast %get3A_486 : vector<1x16xf32> to vector<16xf32>
        %get3A_488 = arith.index_cast %scan3A_346 : i32 to index
        %get3A_489 = arith.constant 112 : index
        %get3A_490 = tpu.vector_load %arg17[%get3A_488, %get3A_489] {strides = array<i32>} : memref<80x128xf32, #tpu.memory_space<vmem>>, vector<1x16xf32>,
        %get3A_491 = vector.shape_cast %get3A_490 : vector<1x16xf32> to vector<16xf32>
        %add3A_492 = arith.addf %get3A_487, %get3A_491 : vector<16xf32>
        %mul3A_493 = arith.constant 2.000000e-01 : f32
        %mul3A_494 = vector.broadcast %mul3A_493 : f32 to vector<16xf32>
        %mul3A_495 = arith.mulf %mul3A_494, %add3A_492 : vector<16xf32>
        %max3A_496 = arith.maximumf %add3A_492, %mul3A_495 : vector<16xf32>
        %get3A_497 = arith.constant 7 : i32
        %get3A_498 = arith.index_cast %get3A_497 : i32 to index
        %get3A_499 = arith.constant 0 : index
        %get3A_500 = tpu.vector_load %arg20[%get3A_498, %get3A_499] {strides = array<i32>} : memref<8x16xf32, #tpu.memory_space<vmem>>, vector<1x16xf32>,
        %get3A_501 = vector.shape_cast %get3A_500 : vector<1x16xf32> to vector<16xf32>
        %mul3A_502 = arith.mulf %max3A_496, %get3A_501 : vector<16xf32>
        %add3A_503 = arith.addf %add3A_483, %mul3A_502 : vector<16xf32>
        %iota3A = tpu.iota {dimensions = array<i32: 0>} : vector<16xi32>
        %xor3A = arith.constant 8 : i32
        %xor3A_504 = vector.broadcast %xor3A : i32 to vector<16xi32>
        %xor3A_505 = arith.xori %iota3A, %xor3A_504 : vector<16xi32>
        %broadcast_in_dim3A = vector.shape_cast %xor3A_505 : vector<16xi32> to vector<16x1xi32>
        %gather3A = vector.shape_cast %broadcast_in_dim3A : vector<16x1xi32> to vector<16xi32>
        %gather3A_506 = tpu.dynamic_gather %add3A_424[%gather3A] in [0] : vector<16xf32>, vector<16xi32> -> vector<16xf32>
        %add3A_507 = arith.addf %add3A_424, %gather3A_506 : vector<16xf32>
        %xor3A_508 = arith.constant 4 : i32
        %xor3A_509 = vector.broadcast %xor3A_508 : i32 to vector<16xi32>
        %xor3A_510 = arith.xori %iota3A, %xor3A_509 : vector<16xi32>
        %broadcast_in_dim3A_511 = vector.shape_cast %xor3A_510 : vector<16xi32> to vector<16x1xi32>
        %gather3A_512 = vector.shape_cast %broadcast_in_dim3A_511 : vector<16x1xi32> to vector<16xi32>
        %gather3A_513 = tpu.dynamic_gather %add3A_507[%gather3A_512] in [0] : vector<16xf32>, vector<16xi32> -> vector<16xf32>
        %add3A_514 = arith.addf %add3A_507, %gather3A_513 : vector<16xf32>
        %xor3A_515 = arith.constant 2 : i32
        %xor3A_516 = vector.broadcast %xor3A_515 : i32 to vector<16xi32>
        %xor3A_517 = arith.xori %iota3A, %xor3A_516 : vector<16xi32>
        %broadcast_in_dim3A_518 = vector.shape_cast %xor3A_517 : vector<16xi32> to vector<16x1xi32>
        %gather3A_519 = vector.shape_cast %broadcast_in_dim3A_518 : vector<16x1xi32> to vector<16xi32>
        %gather3A_520 = tpu.dynamic_gather %add3A_514[%gather3A_519] in [0] : vector<16xf32>, vector<16xi32> -> vector<16xf32>
        %add3A_521 = arith.addf %add3A_514, %gather3A_520 : vector<16xf32>
        %xor3A_522 = arith.constant 1 : i32
        %xor3A_523 = vector.broadcast %xor3A_522 : i32 to vector<16xi32>
        %xor3A_524 = arith.xori %iota3A, %xor3A_523 : vector<16xi32>
        %broadcast_in_dim3A_525 = vector.shape_cast %xor3A_524 : vector<16xi32> to vector<16x1xi32>
        %gather3A_526 = vector.shape_cast %broadcast_in_dim3A_525 : vector<16x1xi32> to vector<16xi32>
        %gather3A_527 = tpu.dynamic_gather %add3A_521[%gather3A_526] in [0] : vector<16xf32>, vector<16xi32> -> vector<16xf32>
        %add3A_528 = arith.addf %add3A_521, %gather3A_527 : vector<16xf32>
        %exp3A = math.exp %add3A_528 : vector<16xf32>
        %xor3A_529 = arith.constant 8 : i32
        %xor3A_530 = vector.broadcast %xor3A_529 : i32 to vector<16xi32>
        %xor3A_531 = arith.xori %iota3A, %xor3A_530 : vector<16xi32>
        %broadcast_in_dim3A_532 = vector.shape_cast %xor3A_531 : vector<16xi32> to vector<16x1xi32>
        %gather3A_533 = vector.shape_cast %broadcast_in_dim3A_532 : vector<16x1xi32> to vector<16xi32>
        %gather3A_534 = tpu.dynamic_gather %add3A_503[%gather3A_533] in [0] : vector<16xf32>, vector<16xi32> -> vector<16xf32>
        %add3A_535 = arith.addf %add3A_503, %gather3A_534 : vector<16xf32>
        %xor3A_536 = arith.constant 4 : i32
        %xor3A_537 = vector.broadcast %xor3A_536 : i32 to vector<16xi32>
        %xor3A_538 = arith.xori %iota3A, %xor3A_537 : vector<16xi32>
        %broadcast_in_dim3A_539 = vector.shape_cast %xor3A_538 : vector<16xi32> to vector<16x1xi32>
        %gather3A_540 = vector.shape_cast %broadcast_in_dim3A_539 : vector<16x1xi32> to vector<16xi32>
        %gather3A_541 = tpu.dynamic_gather %add3A_535[%gather3A_540] in [0] : vector<16xf32>, vector<16xi32> -> vector<16xf32>
        %add3A_542 = arith.addf %add3A_535, %gather3A_541 : vector<16xf32>
        %xor3A_543 = arith.constant 2 : i32
        %xor3A_544 = vector.broadcast %xor3A_543 : i32 to vector<16xi32>
        %xor3A_545 = arith.xori %iota3A, %xor3A_544 : vector<16xi32>
        %broadcast_in_dim3A_546 = vector.shape_cast %xor3A_545 : vector<16xi32> to vector<16x1xi32>
        %gather3A_547 = vector.shape_cast %broadcast_in_dim3A_546 : vector<16x1xi32> to vector<16xi32>
        %gather3A_548 = tpu.dynamic_gather %add3A_542[%gather3A_547] in [0] : vector<16xf32>, vector<16xi32> -> vector<16xf32>
        %add3A_549 = arith.addf %add3A_542, %gather3A_548 : vector<16xf32>
        %xor3A_550 = arith.constant 1 : i32
        %xor3A_551 = vector.broadcast %xor3A_550 : i32 to vector<16xi32>
        %xor3A_552 = arith.xori %iota3A, %xor3A_551 : vector<16xi32>
        %broadcast_in_dim3A_553 = vector.shape_cast %xor3A_552 : vector<16xi32> to vector<16x1xi32>
        %gather3A_554 = vector.shape_cast %broadcast_in_dim3A_553 : vector<16x1xi32> to vector<16xi32>
        %gather3A_555 = tpu.dynamic_gather %add3A_549[%gather3A_554] in [0] : vector<16xf32>, vector<16xi32> -> vector<16xf32>
        %add3A_556 = arith.addf %add3A_549, %gather3A_555 : vector<16xf32>
        %exp3A_557 = math.exp %add3A_556 : vector<16xf32>
        %mul3A_558 = arith.mulf %get3A_350, %exp3A : vector<16xf32>
        %swap3A_559 = arith.index_cast %scan3A_346 : i32 to index
        %swap3A_560 = arith.constant 0 : index
        %swap3A_561 = tpu.vector_load %arg18[%swap3A_559, %swap3A_560] {strides = array<i32>} : memref<80x128xf32, #tpu.memory_space<vmem>>, vector<1x16xf32>,
        %swap3A_562 = vector.shape_cast %swap3A_561 : vector<1x16xf32> to vector<16xf32>
        %swap3A_563 = vector.shape_cast %mul3A_558 : vector<16xf32> to vector<1x16xf32>
        tpu.vector_store %arg18[%swap3A_559, %swap3A_560], %swap3A_563 {strides = array<i32>} : memref<80x128xf32, #tpu.memory_space<vmem>>, vector<1x16xf32>,
        %mul3A_564 = arith.mulf %get3A_368, %exp3A : vector<16xf32>
        %swap3A_565 = arith.index_cast %scan3A_346 : i32 to index
        %swap3A_566 = arith.constant 16 : index
        %swap3A_567 = tpu.vector_load %arg18[%swap3A_565, %swap3A_566] {strides = array<i32>} : memref<80x128xf32, #tpu.memory_space<vmem>>, vector<1x16xf32>,
        %swap3A_568 = vector.shape_cast %swap3A_567 : vector<1x16xf32> to vector<16xf32>
        %swap3A_569 = vector.shape_cast %mul3A_564 : vector<16xf32> to vector<1x16xf32>
        tpu.vector_store %arg18[%swap3A_565, %swap3A_566], %swap3A_569 {strides = array<i32>} : memref<80x128xf32, #tpu.memory_space<vmem>>, vector<1x16xf32>,
        %mul3A_570 = arith.mulf %get3A_388, %exp3A : vector<16xf32>
        %swap3A_571 = arith.index_cast %scan3A_346 : i32 to index
        %swap3A_572 = arith.constant 32 : index
        %swap3A_573 = tpu.vector_load %arg18[%swap3A_571, %swap3A_572] {strides = array<i32>} : memref<80x128xf32, #tpu.memory_space<vmem>>, vector<1x16xf32>,
        %swap3A_574 = vector.shape_cast %swap3A_573 : vector<1x16xf32> to vector<16xf32>
        %swap3A_575 = vector.shape_cast %mul3A_570 : vector<16xf32> to vector<1x16xf32>
        tpu.vector_store %arg18[%swap3A_571, %swap3A_572], %swap3A_575 {strides = array<i32>} : memref<80x128xf32, #tpu.memory_space<vmem>>, vector<1x16xf32>,
        %mul3A_576 = arith.mulf %get3A_408, %exp3A : vector<16xf32>
        %swap3A_577 = arith.index_cast %scan3A_346 : i32 to index
        %swap3A_578 = arith.constant 48 : index
        %swap3A_579 = tpu.vector_load %arg18[%swap3A_577, %swap3A_578] {strides = array<i32>} : memref<80x128xf32, #tpu.memory_space<vmem>>, vector<1x16xf32>,
        %swap3A_580 = vector.shape_cast %swap3A_579 : vector<1x16xf32> to vector<16xf32>
        %swap3A_581 = vector.shape_cast %mul3A_576 : vector<16xf32> to vector<1x16xf32>
        tpu.vector_store %arg18[%swap3A_577, %swap3A_578], %swap3A_581 {strides = array<i32>} : memref<80x128xf32, #tpu.memory_space<vmem>>, vector<1x16xf32>,
        %mul3A_582 = arith.mulf %get3A_428, %exp3A_557 : vector<16xf32>
        %swap3A_583 = arith.index_cast %scan3A_346 : i32 to index
        %swap3A_584 = arith.constant 64 : index
        %swap3A_585 = tpu.vector_load %arg18[%swap3A_583, %swap3A_584] {strides = array<i32>} : memref<80x128xf32, #tpu.memory_space<vmem>>, vector<1x16xf32>,
        %swap3A_586 = vector.shape_cast %swap3A_585 : vector<1x16xf32> to vector<16xf32>
        %swap3A_587 = vector.shape_cast %mul3A_582 : vector<16xf32> to vector<1x16xf32>
        tpu.vector_store %arg18[%swap3A_583, %swap3A_584], %swap3A_587 {strides = array<i32>} : memref<80x128xf32, #tpu.memory_space<vmem>>, vector<1x16xf32>,
        %mul3A_588 = arith.mulf %get3A_447, %exp3A_557 : vector<16xf32>
        %swap3A_589 = arith.index_cast %scan3A_346 : i32 to index
        %swap3A_590 = arith.constant 80 : index
        %swap3A_591 = tpu.vector_load %arg18[%swap3A_589, %swap3A_590] {strides = array<i32>} : memref<80x128xf32, #tpu.memory_space<vmem>>, vector<1x16xf32>,
        %swap3A_592 = vector.shape_cast %swap3A_591 : vector<1x16xf32> to vector<16xf32>
        %swap3A_593 = vector.shape_cast %mul3A_588 : vector<16xf32> to vector<1x16xf32>
        tpu.vector_store %arg18[%swap3A_589, %swap3A_590], %swap3A_593 {strides = array<i32>} : memref<80x128xf32, #tpu.memory_space<vmem>>, vector<1x16xf32>,
        %mul3A_594 = arith.mulf %get3A_467, %exp3A_557 : vector<16xf32>
        %swap3A_595 = arith.index_cast %scan3A_346 : i32 to index
        %swap3A_596 = arith.constant 96 : index
        %swap3A_597 = tpu.vector_load %arg18[%swap3A_595, %swap3A_596] {strides = array<i32>} : memref<80x128xf32, #tpu.memory_space<vmem>>, vector<1x16xf32>,
        %swap3A_598 = vector.shape_cast %swap3A_597 : vector<1x16xf32> to vector<16xf32>
        %swap3A_599 = vector.shape_cast %mul3A_594 : vector<16xf32> to vector<1x16xf32>
        tpu.vector_store %arg18[%swap3A_595, %swap3A_596], %swap3A_599 {strides = array<i32>} : memref<80x128xf32, #tpu.memory_space<vmem>>, vector<1x16xf32>,
        %mul3A_600 = arith.mulf %get3A_487, %exp3A_557 : vector<16xf32>
        %swap3A_601 = arith.index_cast %scan3A_346 : i32 to index
        %swap3A_602 = arith.constant 112 : index
        %swap3A_603 = tpu.vector_load %arg18[%swap3A_601, %swap3A_602] {strides = array<i32>} : memref<80x128xf32, #tpu.memory_space<vmem>>, vector<1x16xf32>,
        %swap3A_604 = vector.shape_cast %swap3A_603 : vector<1x16xf32> to vector<16xf32>
        %swap3A_605 = vector.shape_cast %mul3A_600 : vector<16xf32> to vector<1x16xf32>
        tpu.vector_store %arg18[%swap3A_601, %swap3A_602], %swap3A_605 {strides = array<i32>} : memref<80x128xf32, #tpu.memory_space<vmem>>, vector<1x16xf32>,
        %get3A_606 = arith.constant 0 : i32
        %get3A_607 = arith.index_cast %get3A_606 : i32 to index
        %get3A_608 = arith.index_cast %scan3A_346 : i32 to index
        %get3A_609 = tpu.vector_load %arg12[%get3A_607, %get3A_608] {strides = array<i32>} : memref<1x96xi32, #tpu.memory_space<vmem>>, vector<1x16xi32>,
        %get3A_610 = vector.shape_cast %get3A_609 : vector<1x16xi32> to vector<16xi32>
        %get3A_611 = arith.constant 0 : i32
        %get3A_612 = arith.index_cast %get3A_611 : i32 to index
        %get3A_613 = arith.index_cast %scan3A_346 : i32 to index
        %get3A_614 = tpu.vector_load %arg13[%get3A_612, %get3A_613] {strides = array<i32>} : memref<1x96xi32, #tpu.memory_space<vmem>>, vector<1x16xi32>,
        %get3A_615 = vector.shape_cast %get3A_614 : vector<1x16xi32> to vector<16xi32>
        %broadcast_in_dim3A_616 = arith.constant 0 : i32
        %broadcast_in_dim3A_617 = vector.broadcast %broadcast_in_dim3A_616 : i32 to vector<16xi32>
        %slice3A = vector.extract_strided_slice %get3A_610 {offsets = [0], sizes = [1], strides = [1]} : vector<16xi32> to vector<1xi32>
        %squeeze3A = vector.extract %slice3A[0] : i32 from vector<1xi32>
        %add3A_618 = vector.broadcast %squeeze3A : i32 to vector<16xi32>
        %add3A_619 = arith.addi %broadcast_in_dim3A_617, %add3A_618 : vector<16xi32>
        %broadcast_in_dim3A_620 = arith.constant 0 : i32
        %broadcast_in_dim3A_621 = vector.broadcast %broadcast_in_dim3A_620 : i32 to vector<16xi32>
        %slice3A_622 = vector.extract_strided_slice %get3A_615 {offsets = [0], sizes = [1], strides = [1]} : vector<16xi32> to vector<1xi32>
        %squeeze3A_623 = vector.extract %slice3A_622[0] : i32 from vector<1xi32>
        %add3A_624 = vector.broadcast %squeeze3A_623 : i32 to vector<16xi32>
        %add3A_625 = arith.addi %broadcast_in_dim3A_621, %add3A_624 : vector<16xi32>
        %sub3A = arith.subi %iota3A, %add3A_619 : vector<16xi32>
        %abs3A = math.absi %sub3A : vector<16xi32>
        %min3A = arith.constant 1 : i32
        %min3A_626 = vector.broadcast %min3A : i32 to vector<16xi32>
        %min3A_627 = arith.minsi %abs3A, %min3A_626 : vector<16xi32>
        %sub3A_628 = arith.constant 1 : i32
        %sub3A_629 = vector.broadcast %sub3A_628 : i32 to vector<16xi32>
        %sub3A_630 = arith.subi %sub3A_629, %min3A_627 : vector<16xi32>
        %convert_element_type3A = arith.sitofp %sub3A_630 : vector<16xi32> to vector<16xf32>
        %sub3A_631 = arith.subi %iota3A, %add3A_619 : vector<16xi32>
        %sub3A_632 = arith.constant 1 : i32
        %sub3A_633 = vector.broadcast %sub3A_632 : i32 to vector<16xi32>
        %sub3A_634 = arith.subi %sub3A_631, %sub3A_633 : vector<16xi32>
        %abs3A_635 = math.absi %sub3A_634 : vector<16xi32>
        %min3A_636 = arith.constant 1 : i32
        %min3A_637 = vector.broadcast %min3A_636 : i32 to vector<16xi32>
        %min3A_638 = arith.minsi %abs3A_635, %min3A_637 : vector<16xi32>
        %sub3A_639 = arith.constant 1 : i32
        %sub3A_640 = vector.broadcast %sub3A_639 : i32 to vector<16xi32>
        %sub3A_641 = arith.subi %sub3A_640, %min3A_638 : vector<16xi32>
        %convert_element_type3A_642 = arith.sitofp %sub3A_641 : vector<16xi32> to vector<16xf32>
        %mul3A_643 = arith.mulf %exp3A, %convert_element_type3A : vector<16xf32>
        %mul3A_644 = arith.mulf %exp3A_557, %convert_element_type3A_642 : vector<16xf32>
        %add3A_645 = arith.addf %mul3A_643, %mul3A_644 : vector<16xf32>
        %sub3A_646 = arith.constant 0 : i32
        %sub3A_647 = vector.broadcast %sub3A_646 : i32 to vector<16xi32>
        %sub3A_648 = arith.subi %add3A_625, %sub3A_647 : vector<16xi32>
        %abs3A_649 = math.absi %sub3A_648 : vector<16xi32>
        %min3A_650 = arith.constant 1 : i32
        %min3A_651 = vector.broadcast %min3A_650 : i32 to vector<16xi32>
        %min3A_652 = arith.minsi %abs3A_649, %min3A_651 : vector<16xi32>
        %sub3A_653 = arith.constant 1 : i32
        %sub3A_654 = vector.broadcast %sub3A_653 : i32 to vector<16xi32>
        %sub3A_655 = arith.subi %sub3A_654, %min3A_652 : vector<16xi32>
        %convert_element_type3A_656 = arith.sitofp %sub3A_655 : vector<16xi32> to vector<16xf32>
        %mul3A_657 = arith.mulf %add3A_645, %convert_element_type3A_656 : vector<16xf32>
        %swap3A_658 = arith.index_cast %scan3A_346 : i32 to index
        %swap3A_659 = arith.constant 0 : index
        %swap3A_660 = tpu.vector_load %arg19[%swap3A_658, %swap3A_659] {strides = array<i32>} : memref<80x128xf32, #tpu.memory_space<vmem>>, vector<1x16xf32>,
        %swap3A_661 = vector.shape_cast %swap3A_660 : vector<1x16xf32> to vector<16xf32>
        %swap3A_662 = vector.shape_cast %mul3A_657 : vector<16xf32> to vector<1x16xf32>
        tpu.vector_store %arg19[%swap3A_658, %swap3A_659], %swap3A_662 {strides = array<i32>} : memref<80x128xf32, #tpu.memory_space<vmem>>, vector<1x16xf32>,
        %sub3A_663 = arith.constant 1 : i32
        %sub3A_664 = vector.broadcast %sub3A_663 : i32 to vector<16xi32>
        %sub3A_665 = arith.subi %add3A_625, %sub3A_664 : vector<16xi32>
        %abs3A_666 = math.absi %sub3A_665 : vector<16xi32>
        %min3A_667 = arith.constant 1 : i32
        %min3A_668 = vector.broadcast %min3A_667 : i32 to vector<16xi32>
        %min3A_669 = arith.minsi %abs3A_666, %min3A_668 : vector<16xi32>
        %sub3A_670 = arith.constant 1 : i32
        %sub3A_671 = vector.broadcast %sub3A_670 : i32 to vector<16xi32>
        %sub3A_672 = arith.subi %sub3A_671, %min3A_669 : vector<16xi32>
        %convert_element_type3A_673 = arith.sitofp %sub3A_672 : vector<16xi32> to vector<16xf32>
        %mul3A_674 = arith.mulf %add3A_645, %convert_element_type3A_673 : vector<16xf32>
        %swap3A_675 = arith.index_cast %scan3A_346 : i32 to index
        %swap3A_676 = arith.constant 16 : index
        %swap3A_677 = tpu.vector_load %arg19[%swap3A_675, %swap3A_676] {strides = array<i32>} : memref<80x128xf32, #tpu.memory_space<vmem>>, vector<1x16xf32>,
        %swap3A_678 = vector.shape_cast %swap3A_677 : vector<1x16xf32> to vector<16xf32>
        %swap3A_679 = vector.shape_cast %mul3A_674 : vector<16xf32> to vector<1x16xf32>
        tpu.vector_store %arg19[%swap3A_675, %swap3A_676], %swap3A_679 {strides = array<i32>} : memref<80x128xf32, #tpu.memory_space<vmem>>, vector<1x16xf32>,
        %sub3A_680 = arith.constant 2 : i32
        %sub3A_681 = vector.broadcast %sub3A_680 : i32 to vector<16xi32>
        %sub3A_682 = arith.subi %add3A_625, %sub3A_681 : vector<16xi32>
        %abs3A_683 = math.absi %sub3A_682 : vector<16xi32>
        %min3A_684 = arith.constant 1 : i32
        %min3A_685 = vector.broadcast %min3A_684 : i32 to vector<16xi32>
        %min3A_686 = arith.minsi %abs3A_683, %min3A_685 : vector<16xi32>
        %sub3A_687 = arith.constant 1 : i32
        %sub3A_688 = vector.broadcast %sub3A_687 : i32 to vector<16xi32>
        %sub3A_689 = arith.subi %sub3A_688, %min3A_686 : vector<16xi32>
        %convert_element_type3A_690 = arith.sitofp %sub3A_689 : vector<16xi32> to vector<16xf32>
        %mul3A_691 = arith.mulf %add3A_645, %convert_element_type3A_690 : vector<16xf32>
        %swap3A_692 = arith.index_cast %scan3A_346 : i32 to index
        %swap3A_693 = arith.constant 32 : index
        %swap3A_694 = tpu.vector_load %arg19[%swap3A_692, %swap3A_693] {strides = array<i32>} : memref<80x128xf32, #tpu.memory_space<vmem>>, vector<1x16xf32>,
        %swap3A_695 = vector.shape_cast %swap3A_694 : vector<1x16xf32> to vector<16xf32>
        %swap3A_696 = vector.shape_cast %mul3A_691 : vector<16xf32> to vector<1x16xf32>
        tpu.vector_store %arg19[%swap3A_692, %swap3A_693], %swap3A_696 {strides = array<i32>} : memref<80x128xf32, #tpu.memory_space<vmem>>, vector<1x16xf32>,
        %sub3A_697 = arith.constant 3 : i32
        %sub3A_698 = vector.broadcast %sub3A_697 : i32 to vector<16xi32>
        %sub3A_699 = arith.subi %add3A_625, %sub3A_698 : vector<16xi32>
        %abs3A_700 = math.absi %sub3A_699 : vector<16xi32>
        %min3A_701 = arith.constant 1 : i32
        %min3A_702 = vector.broadcast %min3A_701 : i32 to vector<16xi32>
        %min3A_703 = arith.minsi %abs3A_700, %min3A_702 : vector<16xi32>
        %sub3A_704 = arith.constant 1 : i32
        %sub3A_705 = vector.broadcast %sub3A_704 : i32 to vector<16xi32>
        %sub3A_706 = arith.subi %sub3A_705, %min3A_703 : vector<16xi32>
        %convert_element_type3A_707 = arith.sitofp %sub3A_706 : vector<16xi32> to vector<16xf32>
        %mul3A_708 = arith.mulf %add3A_645, %convert_element_type3A_707 : vector<16xf32>
        %swap3A_709 = arith.index_cast %scan3A_346 : i32 to index
        %swap3A_710 = arith.constant 48 : index
        %swap3A_711 = tpu.vector_load %arg19[%swap3A_709, %swap3A_710] {strides = array<i32>} : memref<80x128xf32, #tpu.memory_space<vmem>>, vector<1x16xf32>,
        %swap3A_712 = vector.shape_cast %swap3A_711 : vector<1x16xf32> to vector<16xf32>
        %swap3A_713 = vector.shape_cast %mul3A_708 : vector<16xf32> to vector<1x16xf32>
        tpu.vector_store %arg19[%swap3A_709, %swap3A_710], %swap3A_713 {strides = array<i32>} : memref<80x128xf32, #tpu.memory_space<vmem>>, vector<1x16xf32>,
        %sub3A_714 = arith.constant 4 : i32
        %sub3A_715 = vector.broadcast %sub3A_714 : i32 to vector<16xi32>
        %sub3A_716 = arith.subi %add3A_625, %sub3A_715 : vector<16xi32>
        %abs3A_717 = math.absi %sub3A_716 : vector<16xi32>
        %min3A_718 = arith.constant 1 : i32
        %min3A_719 = vector.broadcast %min3A_718 : i32 to vector<16xi32>
        %min3A_720 = arith.minsi %abs3A_717, %min3A_719 : vector<16xi32>
        %sub3A_721 = arith.constant 1 : i32
        %sub3A_722 = vector.broadcast %sub3A_721 : i32 to vector<16xi32>
        %sub3A_723 = arith.subi %sub3A_722, %min3A_720 : vector<16xi32>
        %convert_element_type3A_724 = arith.sitofp %sub3A_723 : vector<16xi32> to vector<16xf32>
        %mul3A_725 = arith.mulf %add3A_645, %convert_element_type3A_724 : vector<16xf32>
        %swap3A_726 = arith.index_cast %scan3A_346 : i32 to index
        %swap3A_727 = arith.constant 64 : index
        %swap3A_728 = tpu.vector_load %arg19[%swap3A_726, %swap3A_727] {strides = array<i32>} : memref<80x128xf32, #tpu.memory_space<vmem>>, vector<1x16xf32>,
        %swap3A_729 = vector.shape_cast %swap3A_728 : vector<1x16xf32> to vector<16xf32>
        %swap3A_730 = vector.shape_cast %mul3A_725 : vector<16xf32> to vector<1x16xf32>
        tpu.vector_store %arg19[%swap3A_726, %swap3A_727], %swap3A_730 {strides = array<i32>} : memref<80x128xf32, #tpu.memory_space<vmem>>, vector<1x16xf32>,
        %sub3A_731 = arith.constant 5 : i32
        %sub3A_732 = vector.broadcast %sub3A_731 : i32 to vector<16xi32>
        %sub3A_733 = arith.subi %add3A_625, %sub3A_732 : vector<16xi32>
        %abs3A_734 = math.absi %sub3A_733 : vector<16xi32>
        %min3A_735 = arith.constant 1 : i32
        %min3A_736 = vector.broadcast %min3A_735 : i32 to vector<16xi32>
        %min3A_737 = arith.minsi %abs3A_734, %min3A_736 : vector<16xi32>
        %sub3A_738 = arith.constant 1 : i32
        %sub3A_739 = vector.broadcast %sub3A_738 : i32 to vector<16xi32>
        %sub3A_740 = arith.subi %sub3A_739, %min3A_737 : vector<16xi32>
        %convert_element_type3A_741 = arith.sitofp %sub3A_740 : vector<16xi32> to vector<16xf32>
        %mul3A_742 = arith.mulf %add3A_645, %convert_element_type3A_741 : vector<16xf32>
        %swap3A_743 = arith.index_cast %scan3A_346 : i32 to index
        %swap3A_744 = arith.constant 80 : index
        %swap3A_745 = tpu.vector_load %arg19[%swap3A_743, %swap3A_744] {strides = array<i32>} : memref<80x128xf32, #tpu.memory_space<vmem>>, vector<1x16xf32>,
        %swap3A_746 = vector.shape_cast %swap3A_745 : vector<1x16xf32> to vector<16xf32>
        %swap3A_747 = vector.shape_cast %mul3A_742 : vector<16xf32> to vector<1x16xf32>
        tpu.vector_store %arg19[%swap3A_743, %swap3A_744], %swap3A_747 {strides = array<i32>} : memref<80x128xf32, #tpu.memory_space<vmem>>, vector<1x16xf32>,
        %sub3A_748 = arith.constant 6 : i32
        %sub3A_749 = vector.broadcast %sub3A_748 : i32 to vector<16xi32>
        %sub3A_750 = arith.subi %add3A_625, %sub3A_749 : vector<16xi32>
        %abs3A_751 = math.absi %sub3A_750 : vector<16xi32>
        %min3A_752 = arith.constant 1 : i32
        %min3A_753 = vector.broadcast %min3A_752 : i32 to vector<16xi32>
        %min3A_754 = arith.minsi %abs3A_751, %min3A_753 : vector<16xi32>
        %sub3A_755 = arith.constant 1 : i32
        %sub3A_756 = vector.broadcast %sub3A_755 : i32 to vector<16xi32>
        %sub3A_757 = arith.subi %sub3A_756, %min3A_754 : vector<16xi32>
        %convert_element_type3A_758 = arith.sitofp %sub3A_757 : vector<16xi32> to vector<16xf32>
        %mul3A_759 = arith.mulf %add3A_645, %convert_element_type3A_758 : vector<16xf32>
        %swap3A_760 = arith.index_cast %scan3A_346 : i32 to index
        %swap3A_761 = arith.constant 96 : index
        %swap3A_762 = tpu.vector_load %arg19[%swap3A_760, %swap3A_761] {strides = array<i32>} : memref<80x128xf32, #tpu.memory_space<vmem>>, vector<1x16xf32>,
        %swap3A_763 = vector.shape_cast %swap3A_762 : vector<1x16xf32> to vector<16xf32>
        %swap3A_764 = vector.shape_cast %mul3A_759 : vector<16xf32> to vector<1x16xf32>
        tpu.vector_store %arg19[%swap3A_760, %swap3A_761], %swap3A_764 {strides = array<i32>} : memref<80x128xf32, #tpu.memory_space<vmem>>, vector<1x16xf32>,
        %sub3A_765 = arith.constant 7 : i32
        %sub3A_766 = vector.broadcast %sub3A_765 : i32 to vector<16xi32>
        %sub3A_767 = arith.subi %add3A_625, %sub3A_766 : vector<16xi32>
        %abs3A_768 = math.absi %sub3A_767 : vector<16xi32>
        %min3A_769 = arith.constant 1 : i32
        %min3A_770 = vector.broadcast %min3A_769 : i32 to vector<16xi32>
        %min3A_771 = arith.minsi %abs3A_768, %min3A_770 : vector<16xi32>
        %sub3A_772 = arith.constant 1 : i32
        %sub3A_773 = vector.broadcast %sub3A_772 : i32 to vector<16xi32>
        %sub3A_774 = arith.subi %sub3A_773, %min3A_771 : vector<16xi32>
        %convert_element_type3A_775 = arith.sitofp %sub3A_774 : vector<16xi32> to vector<16xf32>
        %mul3A_776 = arith.mulf %add3A_645, %convert_element_type3A_775 : vector<16xf32>
        %swap3A_777 = arith.index_cast %scan3A_346 : i32 to index
        %swap3A_778 = arith.constant 112 : index
        %swap3A_779 = tpu.vector_load %arg19[%swap3A_777, %swap3A_778] {strides = array<i32>} : memref<80x128xf32, #tpu.memory_space<vmem>>, vector<1x16xf32>,
        %swap3A_780 = vector.shape_cast %swap3A_779 : vector<1x16xf32> to vector<16xf32>
        %swap3A_781 = vector.shape_cast %mul3A_776 : vector<16xf32> to vector<1x16xf32>
        tpu.vector_store %arg19[%swap3A_777, %swap3A_778], %swap3A_781 {strides = array<i32>} : memref<80x128xf32, #tpu.memory_space<vmem>>, vector<1x16xf32>,
      }
      %scan3A_343 = arith.constant 80 : i32
      %run_scoped3A_344 = arith.constant 0 : i32
      "tpu.region"() ({
        %run_scoped3A_346 = tpu.sem_alloc : memref<!tpu.dma_semaphore, #tpu.memory_space<semaphore_mem>>
        %dma_start3A_347 = arith.constant 0 : i32
        %dma_start3A_348 = tpu.memref_slice %arg11[%run_scoped3A_344, %dma_start3A_347] : memref<1x80xi32, #tpu.memory_space<vmem>> -> memref<1x80xi32, #tpu.memory_space<vmem>>
        %dma_start3A_349 = tpu.memref_squeeze %dma_start3A_348 : memref<1x80xi32, #tpu.memory_space<vmem>> -> memref<80xi32, #tpu.memory_space<vmem>>
        %dma_start3A_350 = arith.constant 0 : i32
        %dma_start3A_351 = arith.constant 0 : i32
        %dma_start3A_352 = tpu.memref_slice %arg21[%dma_start3A_350, %dma_start3A_351] : memref<10112x128xf32, #tpu.memory_space<vmem_shared>> -> memref<10112x128xf32, #tpu.memory_space<vmem_shared>>
        tpu.enqueue_indirect_dma source(%arg18 : memref<80x128xf32, #tpu.memory_space<vmem>>) target(%dma_start3A_352 : memref<10112x128xf32, #tpu.memory_space<vmem_shared>>) offsets(%dma_start3A_349 : memref<80xi32, #tpu.memory_space<vmem>>) semaphore(%run_scoped3A_346 : memref<!tpu.dma_semaphore, #tpu.memory_space<semaphore_mem>>) {add = true}
        %dma_wait3A_353 = arith.constant 0 : i32
        %dma_wait3A_354 = tpu.memref_slice %arg11[%run_scoped3A_344, %dma_wait3A_353] : memref<1x80xi32, #tpu.memory_space<vmem>> -> memref<1x80xi32, #tpu.memory_space<vmem>>
        %dma_wait3A_355 = tpu.memref_squeeze %dma_wait3A_354 : memref<1x80xi32, #tpu.memory_space<vmem>> -> memref<80xi32, #tpu.memory_space<vmem>>
        %dma_wait3A_356 = arith.constant 0 : i32
        %dma_wait3A_357 = arith.constant 0 : i32
        %dma_wait3A_358 = tpu.memref_slice %arg21[%dma_wait3A_356, %dma_wait3A_357] : memref<10112x128xf32, #tpu.memory_space<vmem_shared>> -> memref<10112x128xf32, #tpu.memory_space<vmem_shared>>
        tpu.wait_indirect_dma semaphore(%run_scoped3A_346 : memref<!tpu.dma_semaphore, #tpu.memory_space<semaphore_mem>>) src(%arg18 : memref<80x128xf32, #tpu.memory_space<vmem>>) dst(%dma_wait3A_358 : memref<10112x128xf32, #tpu.memory_space<vmem_shared>>)
        tpu.yield
      }) : () -> ()
      %run_scoped3A_345 = arith.constant 0 : i32
      "tpu.region"() ({
        %run_scoped3A_346 = tpu.sem_alloc : memref<!tpu.dma_semaphore, #tpu.memory_space<semaphore_mem>>
        %dma_start3A_347 = arith.constant 0 : i32
        %dma_start3A_348 = tpu.memref_slice %arg15[%run_scoped3A_345, %dma_start3A_347] : memref<1x80xi32, #tpu.memory_space<vmem>> -> memref<1x80xi32, #tpu.memory_space<vmem>>
        %dma_start3A_349 = tpu.memref_squeeze %dma_start3A_348 : memref<1x80xi32, #tpu.memory_space<vmem>> -> memref<80xi32, #tpu.memory_space<vmem>>
        %dma_start3A_350 = arith.constant 0 : i32
        %dma_start3A_351 = arith.constant 0 : i32
        %dma_start3A_352 = tpu.memref_slice %arg22[%dma_start3A_350, %dma_start3A_351] : memref<256x128xf32, #tpu.memory_space<vmem_shared>> -> memref<256x128xf32, #tpu.memory_space<vmem_shared>>
        tpu.enqueue_indirect_dma source(%arg19 : memref<80x128xf32, #tpu.memory_space<vmem>>) target(%dma_start3A_352 : memref<256x128xf32, #tpu.memory_space<vmem_shared>>) offsets(%dma_start3A_349 : memref<80xi32, #tpu.memory_space<vmem>>) semaphore(%run_scoped3A_346 : memref<!tpu.dma_semaphore, #tpu.memory_space<semaphore_mem>>) {add = true}
        %dma_wait3A_353 = arith.constant 0 : i32
        %dma_wait3A_354 = tpu.memref_slice %arg15[%run_scoped3A_345, %dma_wait3A_353] : memref<1x80xi32, #tpu.memory_space<vmem>> -> memref<1x80xi32, #tpu.memory_space<vmem>>
        %dma_wait3A_355 = tpu.memref_squeeze %dma_wait3A_354 : memref<1x80xi32, #tpu.memory_space<vmem>> -> memref<80xi32, #tpu.memory_space<vmem>>
        %dma_wait3A_356 = arith.constant 0 : i32
        %dma_wait3A_357 = arith.constant 0 : i32
        %dma_wait3A_358 = tpu.memref_slice %arg22[%dma_wait3A_356, %dma_wait3A_357] : memref<256x128xf32, #tpu.memory_space<vmem_shared>> -> memref<256x128xf32, #tpu.memory_space<vmem_shared>>
        tpu.wait_indirect_dma semaphore(%run_scoped3A_346 : memref<!tpu.dma_semaphore, #tpu.memory_space<semaphore_mem>>) src(%arg19 : memref<80x128xf32, #tpu.memory_space<vmem>>) dst(%dma_wait3A_358 : memref<256x128xf32, #tpu.memory_space<vmem_shared>>)
        tpu.yield
      }) : () -> ()
    }
    %scan3A_11 = arith.constant 125 : i32
    %barrier3A_12 = arith.constant 0 : index
    tpu.barrier barrier_id(%barrier3A_12)
    %mul3A_13 = arith.constant 632 : i32
    %mul3A_14 = arith.muli %arg1, %mul3A_13 : i32
    "tpu.region"() ({
      %run_scoped3A = tpu.sem_alloc : memref<!tpu.dma_semaphore, #tpu.memory_space<semaphore_mem>>
      %dma_start3A = arith.constant 0 : i32
      %dma_start3A_17 = tpu.memref_slice %arg8[%arg0, %mul3A_14, %dma_start3A] : memref<2x10112x128xf32, #tpu.memory_space<hbm>> -> memref<1x632x128xf32, #tpu.memory_space<hbm>>
      %dma_start3A_18 = tpu.memref_squeeze %dma_start3A_17 : memref<1x632x128xf32, #tpu.memory_space<hbm>> -> memref<632x128xf32, #tpu.memory_space<hbm>>
      %dma_start3A_19 = arith.constant 0 : i32
      %dma_start3A_20 = tpu.memref_slice %arg21[%mul3A_14, %dma_start3A_19] : memref<10112x128xf32, #tpu.memory_space<vmem_shared>> -> memref<632x128xf32, #tpu.memory_space<vmem_shared>>
      tpu.enqueue_dma source(%dma_start3A_20 : memref<632x128xf32, #tpu.memory_space<vmem_shared>>) target(%dma_start3A_18 : memref<632x128xf32, #tpu.memory_space<hbm>>) target_semaphore(%run_scoped3A : memref<!tpu.dma_semaphore, #tpu.memory_space<semaphore_mem>>)
      %dma_wait3A = arith.constant 0 : i32
      %dma_wait3A_21 = tpu.memref_slice %arg8[%arg0, %mul3A_14, %dma_wait3A] : memref<2x10112x128xf32, #tpu.memory_space<hbm>> -> memref<1x632x128xf32, #tpu.memory_space<hbm>>
      %dma_wait3A_22 = tpu.memref_squeeze %dma_wait3A_21 : memref<1x632x128xf32, #tpu.memory_space<hbm>> -> memref<632x128xf32, #tpu.memory_space<hbm>>
      %dma_wait3A_23 = arith.constant 0 : i32
      %dma_wait3A_24 = tpu.memref_slice %arg21[%mul3A_14, %dma_wait3A_23] : memref<10112x128xf32, #tpu.memory_space<vmem_shared>> -> memref<632x128xf32, #tpu.memory_space<vmem_shared>>
      tpu.wait_dma2 semaphore(%run_scoped3A : memref<!tpu.dma_semaphore, #tpu.memory_space<semaphore_mem>>) src(%dma_wait3A_24 : memref<632x128xf32, #tpu.memory_space<vmem_shared>>) dst(%dma_wait3A_22 : memref<632x128xf32, #tpu.memory_space<hbm>>)
      tpu.yield
    }) : () -> ()
    %mul3A_15 = arith.constant 16 : i32
    %mul3A_16 = arith.muli %arg1, %mul3A_15 : i32
    "tpu.region"() ({
      %run_scoped3A = tpu.sem_alloc : memref<!tpu.dma_semaphore, #tpu.memory_space<semaphore_mem>>
      %dma_start3A = arith.constant 0 : i32
      %dma_start3A_17 = tpu.memref_slice %arg9[%arg0, %mul3A_16, %dma_start3A] : memref<2x256x128xf32, #tpu.memory_space<hbm>> -> memref<1x16x128xf32, #tpu.memory_space<hbm>>
      %dma_start3A_18 = tpu.memref_squeeze %dma_start3A_17 : memref<1x16x128xf32, #tpu.memory_space<hbm>> -> memref<16x128xf32, #tpu.memory_space<hbm>>
      %dma_start3A_19 = arith.constant 0 : i32
      %dma_start3A_20 = tpu.memref_slice %arg22[%mul3A_16, %dma_start3A_19] : memref<256x128xf32, #tpu.memory_space<vmem_shared>> -> memref<16x128xf32, #tpu.memory_space<vmem_shared>>
      tpu.enqueue_dma source(%dma_start3A_20 : memref<16x128xf32, #tpu.memory_space<vmem_shared>>) target(%dma_start3A_18 : memref<16x128xf32, #tpu.memory_space<hbm>>) target_semaphore(%run_scoped3A : memref<!tpu.dma_semaphore, #tpu.memory_space<semaphore_mem>>)
      %dma_wait3A = arith.constant 0 : i32
      %dma_wait3A_21 = tpu.memref_slice %arg9[%arg0, %mul3A_16, %dma_wait3A] : memref<2x256x128xf32, #tpu.memory_space<hbm>> -> memref<1x16x128xf32, #tpu.memory_space<hbm>>
      %dma_wait3A_22 = tpu.memref_squeeze %dma_wait3A_21 : memref<1x16x128xf32, #tpu.memory_space<hbm>> -> memref<16x128xf32, #tpu.memory_space<hbm>>
      %dma_wait3A_23 = arith.constant 0 : i32
      %dma_wait3A_24 = tpu.memref_slice %arg22[%mul3A_16, %dma_wait3A_23] : memref<256x128xf32, #tpu.memory_space<vmem_shared>> -> memref<16x128xf32, #tpu.memory_space<vmem_shared>>
      tpu.wait_dma2 semaphore(%run_scoped3A : memref<!tpu.dma_semaphore, #tpu.memory_space<semaphore_mem>>) src(%dma_wait3A_24 : memref<16x128xf32, #tpu.memory_space<vmem_shared>>) dst(%dma_wait3A_22 : memref<16x128xf32, #tpu.memory_space<hbm>>)
      tpu.yield
    }) : () -> ()
    return
  }
}

module attributes {stable_mosaic.version = 14 : i64} {
  func.func @_proj_body(%arg0: i32, %arg1: memref<1000x128xf32, #tpu.memory_space<vmem>>, %arg2: memref<128x256xf32, #tpu.memory_space<vmem>>, %arg3: memref<128x256xf32, #tpu.memory_space<vmem>>, %arg4: memref<2x1000x128xf32, #tpu.memory_space<vmem>>, %arg5: memref<2x1000x128xf32, #tpu.memory_space<vmem>>) attributes {dimension_semantics = [#tpu.dimension_semantics<arbitrary>], iteration_bounds = array<i64: 10>, scalar_prefetch = 0 : i64, scratch_operands = 0 : i64, tpu.core_type = #tpu.core_type<tc>, window_params = [{transform_indices = @transform_0, window_bounds = array<i64: 1000, 128>}, {pipeline_mode = #tpu.pipeline_mode<synchronous>, transform_indices = @transform_1, window_bounds = array<i64: 128, 256>}, {pipeline_mode = #tpu.pipeline_mode<synchronous>, transform_indices = @transform_2, window_bounds = array<i64: 128, 256>}, {transform_indices = @transform_3, window_bounds = array<i64: 2, 1000, 128>}, {transform_indices = @transform_4, window_bounds = array<i64: 2, 1000, 128>}]} {
    %get3A = arith.constant 0 : index
    %get3A_0 = arith.constant 0 : index
    %get3A_1 = vector.load %arg1[%get3A, %get3A_0] : memref<1000x128xf32, #tpu.memory_space<vmem>>, vector<1000x128xf32>
    %get3A_2 = arith.constant 0 : index
    %get3A_3 = arith.constant 0 : index
    %get3A_4 = vector.load %arg2[%get3A_2, %get3A_3] : memref<128x256xf32, #tpu.memory_space<vmem>>, vector<128x256xf32>
    %dot_general3A = arith.constant dense<0.000000e+00> : vector<1000x256xf32>
    %dot_general3A_5 = tpu.matmul %get3A_1, %get3A_4, %dot_general3A {dimension_numbers = #tpu.dot_dimension_numbers<[1], [0], [0], [1], [0, 0, 1, 1], [], []>, transpose_lhs_hint = false} : vector<1000x128xf32>, vector<128x256xf32>, vector<1000x256xf32> -> vector<1000x256xf32>
    %get3A_6 = arith.constant 0 : index
    %get3A_7 = arith.constant 0 : index
    %get3A_8 = vector.load %arg3[%get3A_6, %get3A_7] : memref<128x256xf32, #tpu.memory_space<vmem>>, vector<128x256xf32>
    %dot_general3A_9 = arith.constant dense<0.000000e+00> : vector<1000x256xf32>
    %dot_general3A_10 = tpu.matmul %get3A_1, %get3A_8, %dot_general3A_9 {dimension_numbers = #tpu.dot_dimension_numbers<[1], [0], [0], [1], [0, 0, 1, 1], [], []>, transpose_lhs_hint = false} : vector<1000x128xf32>, vector<128x256xf32>, vector<1000x256xf32> -> vector<1000x256xf32>
    %slice3A = vector.extract_strided_slice %dot_general3A_5 {offsets = [0, 0], sizes = [1000, 128], strides = [1, 1]} : vector<1000x256xf32> to vector<1000x128xf32>
    %swap3A = arith.constant 0 : index
    %swap3A_11 = arith.constant 0 : index
    %swap3A_12 = arith.constant 0 : index
    %swap3A_13 = vector.load %arg4[%swap3A, %swap3A_11, %swap3A_12] : memref<2x1000x128xf32, #tpu.memory_space<vmem>>, vector<1x1000x128xf32>
    %swap3A_14 = vector.shape_cast %swap3A_13 : vector<1x1000x128xf32> to vector<1000x128xf32>
    %swap3A_15 = vector.shape_cast %slice3A : vector<1000x128xf32> to vector<1x1000x128xf32>
    tpu.vector_store %arg4[%swap3A, %swap3A_11, %swap3A_12], %swap3A_15 {strides = array<i32>} : memref<2x1000x128xf32, #tpu.memory_space<vmem>>, vector<1x1000x128xf32>,
    %slice3A_16 = vector.extract_strided_slice %dot_general3A_5 {offsets = [0, 128], sizes = [1000, 128], strides = [1, 1]} : vector<1000x256xf32> to vector<1000x128xf32>
    %swap3A_17 = arith.constant 1 : index
    %swap3A_18 = arith.constant 0 : index
    %swap3A_19 = arith.constant 0 : index
    %swap3A_20 = vector.load %arg4[%swap3A_17, %swap3A_18, %swap3A_19] : memref<2x1000x128xf32, #tpu.memory_space<vmem>>, vector<1x1000x128xf32>
    %swap3A_21 = vector.shape_cast %swap3A_20 : vector<1x1000x128xf32> to vector<1000x128xf32>
    %swap3A_22 = vector.shape_cast %slice3A_16 : vector<1000x128xf32> to vector<1x1000x128xf32>
    tpu.vector_store %arg4[%swap3A_17, %swap3A_18, %swap3A_19], %swap3A_22 {strides = array<i32>} : memref<2x1000x128xf32, #tpu.memory_space<vmem>>, vector<1x1000x128xf32>,
    %slice3A_23 = vector.extract_strided_slice %dot_general3A_10 {offsets = [0, 0], sizes = [1000, 128], strides = [1, 1]} : vector<1000x256xf32> to vector<1000x128xf32>
    %swap3A_24 = arith.constant 0 : index
    %swap3A_25 = arith.constant 0 : index
    %swap3A_26 = arith.constant 0 : index
    %swap3A_27 = vector.load %arg5[%swap3A_24, %swap3A_25, %swap3A_26] : memref<2x1000x128xf32, #tpu.memory_space<vmem>>, vector<1x1000x128xf32>
    %swap3A_28 = vector.shape_cast %swap3A_27 : vector<1x1000x128xf32> to vector<1000x128xf32>
    %swap3A_29 = vector.shape_cast %slice3A_23 : vector<1000x128xf32> to vector<1x1000x128xf32>
    tpu.vector_store %arg5[%swap3A_24, %swap3A_25, %swap3A_26], %swap3A_29 {strides = array<i32>} : memref<2x1000x128xf32, #tpu.memory_space<vmem>>, vector<1x1000x128xf32>,
    %slice3A_30 = vector.extract_strided_slice %dot_general3A_10 {offsets = [0, 128], sizes = [1000, 128], strides = [1, 1]} : vector<1000x256xf32> to vector<1000x128xf32>
    %swap3A_31 = arith.constant 1 : index
    %swap3A_32 = arith.constant 0 : index
    %swap3A_33 = arith.constant 0 : index
    %swap3A_34 = vector.load %arg5[%swap3A_31, %swap3A_32, %swap3A_33] : memref<2x1000x128xf32, #tpu.memory_space<vmem>>, vector<1x1000x128xf32>
    %swap3A_35 = vector.shape_cast %swap3A_34 : vector<1x1000x128xf32> to vector<1000x128xf32>
    %swap3A_36 = vector.shape_cast %slice3A_30 : vector<1000x128xf32> to vector<1x1000x128xf32>
    tpu.vector_store %arg5[%swap3A_31, %swap3A_32, %swap3A_33], %swap3A_36 {strides = array<i32>} : memref<2x1000x128xf32, #tpu.memory_space<vmem>>, vector<1x1000x128xf32>,
    return
  }
  func.func @transform_0(%arg0: i32) -> (i32, i32) {
    %c0_i32 = arith.constant 0 : i32
    %c0_i32_0 = arith.constant 0 : i32
    return %arg0, %c0_i32 : i32, i32
  }
  func.func @transform_1(%arg0: i32) -> (i32, i32) {
    %c0_i32 = arith.constant 0 : i32
    %c0_i32_0 = arith.constant 0 : i32
    %c0_i32_1 = arith.constant 0 : i32
    return %c0_i32, %c0_i32_0 : i32, i32
  }
  func.func @transform_2(%arg0: i32) -> (i32, i32) {
    %c0_i32 = arith.constant 0 : i32
    %c0_i32_0 = arith.constant 0 : i32
    %c0_i32_1 = arith.constant 0 : i32
    return %c0_i32, %c0_i32_0 : i32, i32
  }
  func.func @transform_3(%arg0: i32) -> (i32, i32, i32) {
    %c0_i32 = arith.constant 0 : i32
    %c0_i32_0 = arith.constant 0 : i32
    %c0_i32_1 = arith.constant 0 : i32
    return %c0_i32, %arg0, %c0_i32_0 : i32, i32, i32
  }
  func.func @transform_4(%arg0: i32) -> (i32, i32, i32) {
    %c0_i32 = arith.constant 0 : i32
    %c0_i32_0 = arith.constant 0 : i32
    %c0_i32_1 = arith.constant 0 : i32
    return %c0_i32, %arg0, %c0_i32_0 : i32, i32, i32
  }
}

module attributes {stable_mosaic.version = 14 : i64} {
  func.func @_combine_body(%arg0: i32, %arg1: memref<2x1000x128xf32, #tpu.memory_space<vmem>>, %arg2: memref<1000x4xf32, #tpu.memory_space<vmem>>, %arg3: memref<2x1000x128xf32, #tpu.memory_space<vmem>>, %arg4: memref<2x1000x128xf32, #tpu.memory_space<vmem>>, %arg5: memref<1x256xf32, #tpu.memory_space<vmem>>, %arg6: memref<1x256xf32, #tpu.memory_space<vmem>>, %arg7: memref<256x384xf32, #tpu.memory_space<vmem>>, %arg8: memref<1x384xf32, #tpu.memory_space<vmem>>, %arg9: memref<1000x384xf32, #tpu.memory_space<vmem>>) attributes {dimension_semantics = [#tpu.dimension_semantics<arbitrary>], iteration_bounds = array<i64: 10>, scalar_prefetch = 0 : i64, scratch_operands = 0 : i64, tpu.core_type = #tpu.core_type<tc>, window_params = [{transform_indices = @transform_0, window_bounds = array<i64: 2, 1000, 128>}, {transform_indices = @transform_1, window_bounds = array<i64: 1000, 4>}, {transform_indices = @transform_2, window_bounds = array<i64: 2, 1000, 128>}, {transform_indices = @transform_3, window_bounds = array<i64: 2, 1000, 128>}, {pipeline_mode = #tpu.pipeline_mode<synchronous>, transform_indices = @transform_4, window_bounds = array<i64: 1, 256>}, {pipeline_mode = #tpu.pipeline_mode<synchronous>, transform_indices = @transform_5, window_bounds = array<i64: 1, 256>}, {pipeline_mode = #tpu.pipeline_mode<synchronous>, transform_indices = @transform_6, window_bounds = array<i64: 256, 384>}, {pipeline_mode = #tpu.pipeline_mode<synchronous>, transform_indices = @transform_7, window_bounds = array<i64: 1, 384>}, {transform_indices = @transform_8, window_bounds = array<i64: 1000, 384>}]} {
    %get3A = arith.constant 0 : index
    %get3A_0 = arith.constant 0 : index
    %get3A_1 = arith.constant 0 : index
    %get3A_2 = vector.load %arg3[%get3A, %get3A_0, %get3A_1] : memref<2x1000x128xf32, #tpu.memory_space<vmem>>, vector<1x1000x128xf32>
    %get3A_3 = vector.shape_cast %get3A_2 : vector<1x1000x128xf32> to vector<1000x128xf32>
    %get3A_4 = arith.constant 1 : index
    %get3A_5 = arith.constant 0 : index
    %get3A_6 = arith.constant 0 : index
    %get3A_7 = vector.load %arg3[%get3A_4, %get3A_5, %get3A_6] : memref<2x1000x128xf32, #tpu.memory_space<vmem>>, vector<1x1000x128xf32>
    %get3A_8 = vector.shape_cast %get3A_7 : vector<1x1000x128xf32> to vector<1000x128xf32>
    %concatenate3A = tpu.concatenate %get3A_3, %get3A_8 in 1 : vector<1000x128xf32>, vector<1000x128xf32> -> vector<1000x256xf32>
    %get3A_9 = arith.constant 0 : index
    %get3A_10 = arith.constant 0 : index
    %get3A_11 = arith.constant 0 : index
    %get3A_12 = vector.load %arg4[%get3A_9, %get3A_10, %get3A_11] : memref<2x1000x128xf32, #tpu.memory_space<vmem>>, vector<1x1000x128xf32>
    %get3A_13 = vector.shape_cast %get3A_12 : vector<1x1000x128xf32> to vector<1000x128xf32>
    %get3A_14 = arith.constant 1 : index
    %get3A_15 = arith.constant 0 : index
    %get3A_16 = arith.constant 0 : index
    %get3A_17 = vector.load %arg4[%get3A_14, %get3A_15, %get3A_16] : memref<2x1000x128xf32, #tpu.memory_space<vmem>>, vector<1x1000x128xf32>
    %get3A_18 = vector.shape_cast %get3A_17 : vector<1x1000x128xf32> to vector<1000x128xf32>
    %concatenate3A_19 = tpu.concatenate %get3A_13, %get3A_18 in 1 : vector<1000x128xf32>, vector<1000x128xf32> -> vector<1000x256xf32>
    %get3A_20 = arith.constant 0 : index
    %get3A_21 = arith.constant 0 : index
    %get3A_22 = arith.constant 0 : index
    %get3A_23 = vector.load %arg1[%get3A_20, %get3A_21, %get3A_22] : memref<2x1000x128xf32, #tpu.memory_space<vmem>>, vector<1x1000x128xf32>
    %get3A_24 = vector.shape_cast %get3A_23 : vector<1x1000x128xf32> to vector<1000x128xf32>
    %get3A_25 = arith.constant 1 : index
    %get3A_26 = arith.constant 0 : index
    %get3A_27 = arith.constant 0 : index
    %get3A_28 = vector.load %arg1[%get3A_25, %get3A_26, %get3A_27] : memref<2x1000x128xf32, #tpu.memory_space<vmem>>, vector<1x1000x128xf32>
    %get3A_29 = vector.shape_cast %get3A_28 : vector<1x1000x128xf32> to vector<1000x128xf32>
    %concatenate3A_30 = tpu.concatenate %get3A_24, %get3A_29 in 1 : vector<1000x128xf32>, vector<1000x128xf32> -> vector<1000x256xf32>
    %get3A_31 = arith.constant 0 : index
    %get3A_32 = arith.constant 0 : index
    %get3A_33 = vector.load %arg2[%get3A_31, %get3A_32] : memref<1000x4xf32, #tpu.memory_space<vmem>>, vector<1000x4xf32>
    %add3A = arith.addf %concatenate3A, %concatenate3A_19 : vector<1000x256xf32>
    %mul3A = arith.constant 2.000000e-01 : f32
    %mul3A_34 = vector.broadcast %mul3A : f32 to vector<1000x256xf32>
    %mul3A_35 = arith.mulf %mul3A_34, %add3A : vector<1000x256xf32>
    %max3A = arith.maximumf %add3A, %mul3A_35 : vector<1000x256xf32>
    %get3A_36 = arith.constant 0 : index
    %get3A_37 = arith.constant 0 : index
    %get3A_38 = vector.load %arg5[%get3A_36, %get3A_37] : memref<1x256xf32, #tpu.memory_space<vmem>>, vector<1x256xf32>
    %mul3A_39 = vector.broadcast %get3A_38 : vector<1x256xf32> to vector<1000x256xf32>
    %mul3A_40 = arith.mulf %max3A, %mul3A_39 : vector<1000x256xf32>
    %iota3A = tpu.iota {dimensions = array<i32: 0>} : vector<256x4xi32>
    %iota3A_41 = tpu.iota {dimensions = array<i32: 1>} : vector<256x4xi32>
    %div3A = arith.constant 64 : i32
    %div3A_42 = vector.broadcast %div3A : i32 to vector<256x4xi32>
    %div3A_43 = arith.divsi %iota3A, %div3A_42 : vector<256x4xi32>
    %eq3A = arith.cmpi eq, %div3A_43, %iota3A_41 : vector<256x4xi32>
    %convert_element_type3A = arith.extui %eq3A : vector<256x4xi1> to vector<256x4xi32>
    %convert_element_type3A_44 = arith.sitofp %convert_element_type3A : vector<256x4xi32> to vector<256x4xf32>
    %iota3A_45 = tpu.iota {dimensions = array<i32: 0>} : vector<4x256xi32>
    %iota3A_46 = tpu.iota {dimensions = array<i32: 1>} : vector<4x256xi32>
    %div3A_47 = arith.constant 64 : i32
    %div3A_48 = vector.broadcast %div3A_47 : i32 to vector<4x256xi32>
    %div3A_49 = arith.divsi %iota3A_46, %div3A_48 : vector<4x256xi32>
    %eq3A_50 = arith.cmpi eq, %iota3A_45, %div3A_49 : vector<4x256xi32>
    %convert_element_type3A_51 = arith.extui %eq3A_50 : vector<4x256xi1> to vector<4x256xi32>
    %convert_element_type3A_52 = arith.sitofp %convert_element_type3A_51 : vector<4x256xi32> to vector<4x256xf32>
    %dot_general3A = arith.constant dense<0.000000e+00> : vector<1000x4xf32>
    %dot_general3A_53 = tpu.matmul %mul3A_40, %convert_element_type3A_44, %dot_general3A {dimension_numbers = #tpu.dot_dimension_numbers<[1], [0], [0], [1], [0, 0, 1, 1], [], []>, transpose_lhs_hint = false} : vector<1000x256xf32>, vector<256x4xf32>, vector<1000x4xf32> -> vector<1000x4xf32>
    %exp3A = math.exp %dot_general3A_53 : vector<1000x4xf32>
    %add3A_54 = arith.addf %get3A_33, %exp3A : vector<1000x4xf32>
    %dot_general3A_55 = arith.constant dense<0.000000e+00> : vector<1000x256xf32>
    %dot_general3A_56 = tpu.matmul %exp3A, %convert_element_type3A_52, %dot_general3A_55 {dimension_numbers = #tpu.dot_dimension_numbers<[1], [0], [0], [1], [0, 0, 1, 1], [], []>, transpose_lhs_hint = false} : vector<1000x4xf32>, vector<4x256xf32>, vector<1000x256xf32> -> vector<1000x256xf32>
    %dot_general3A_57 = arith.constant dense<0.000000e+00> : vector<1000x256xf32>
    %dot_general3A_58 = tpu.matmul %add3A_54, %convert_element_type3A_52, %dot_general3A_57 {dimension_numbers = #tpu.dot_dimension_numbers<[1], [0], [0], [1], [0, 0, 1, 1], [], []>, transpose_lhs_hint = false} : vector<1000x4xf32>, vector<4x256xf32>, vector<1000x256xf32> -> vector<1000x256xf32>
    %mul3A_59 = arith.mulf %dot_general3A_56, %concatenate3A : vector<1000x256xf32>
    %add3A_60 = arith.addf %concatenate3A_30, %mul3A_59 : vector<1000x256xf32>
    %div3A_61 = arith.divf %add3A_60, %dot_general3A_58 : vector<1000x256xf32>
    %get3A_62 = arith.constant 0 : index
    %get3A_63 = arith.constant 0 : index
    %get3A_64 = vector.load %arg6[%get3A_62, %get3A_63] : memref<1x256xf32, #tpu.memory_space<vmem>>, vector<1x256xf32>
    %add3A_65 = vector.broadcast %get3A_64 : vector<1x256xf32> to vector<1000x256xf32>
    %add3A_66 = arith.addf %div3A_61, %add3A_65 : vector<1000x256xf32>
    %get3A_67 = arith.constant 0 : index
    %get3A_68 = arith.constant 0 : index
    %get3A_69 = vector.load %arg7[%get3A_67, %get3A_68] : memref<256x384xf32, #tpu.memory_space<vmem>>, vector<256x384xf32>
    %dot_general3A_70 = arith.constant dense<0.000000e+00> : vector<1000x384xf32>
    %dot_general3A_71 = tpu.matmul %add3A_66, %get3A_69, %dot_general3A_70 {dimension_numbers = #tpu.dot_dimension_numbers<[1], [0], [0], [1], [0, 0, 1, 1], [], []>, transpose_lhs_hint = false} : vector<1000x256xf32>, vector<256x384xf32>, vector<1000x384xf32> -> vector<1000x384xf32>
    %get3A_72 = arith.constant 0 : index
    %get3A_73 = arith.constant 0 : index
    %get3A_74 = vector.load %arg8[%get3A_72, %get3A_73] : memref<1x384xf32, #tpu.memory_space<vmem>>, vector<1x384xf32>
    %add3A_75 = vector.broadcast %get3A_74 : vector<1x384xf32> to vector<1000x384xf32>
    %add3A_76 = arith.addf %dot_general3A_71, %add3A_75 : vector<1000x384xf32>
    %swap3A = arith.constant 0 : index
    %swap3A_77 = arith.constant 0 : index
    %swap3A_78 = vector.load %arg9[%swap3A, %swap3A_77] : memref<1000x384xf32, #tpu.memory_space<vmem>>, vector<1000x384xf32>
    tpu.vector_store %arg9[%swap3A, %swap3A_77], %add3A_76 {strides = array<i32>} : memref<1000x384xf32, #tpu.memory_space<vmem>>, vector<1000x384xf32>,
    return
  }
  func.func @transform_0(%arg0: i32) -> (i32, i32, i32) {
    %c0_i32 = arith.constant 0 : i32
    %c0_i32_0 = arith.constant 0 : i32
    %c0_i32_1 = arith.constant 0 : i32
    return %c0_i32, %arg0, %c0_i32_0 : i32, i32, i32
  }
  func.func @transform_1(%arg0: i32) -> (i32, i32) {
    %c0_i32 = arith.constant 0 : i32
    %c0_i32_0 = arith.constant 0 : i32
    return %arg0, %c0_i32 : i32, i32
  }
  func.func @transform_2(%arg0: i32) -> (i32, i32, i32) {
    %c0_i32 = arith.constant 0 : i32
    %c0_i32_0 = arith.constant 0 : i32
    %c0_i32_1 = arith.constant 0 : i32
    return %c0_i32, %arg0, %c0_i32_0 : i32, i32, i32
  }
  func.func @transform_3(%arg0: i32) -> (i32, i32, i32) {
    %c0_i32 = arith.constant 0 : i32
    %c0_i32_0 = arith.constant 0 : i32
    %c0_i32_1 = arith.constant 0 : i32
    return %c0_i32, %arg0, %c0_i32_0 : i32, i32, i32
  }
  func.func @transform_4(%arg0: i32) -> (i32, i32) {
    %c0_i32 = arith.constant 0 : i32
    %c0_i32_0 = arith.constant 0 : i32
    %c0_i32_1 = arith.constant 0 : i32
    return %c0_i32, %c0_i32_0 : i32, i32
  }
  func.func @transform_5(%arg0: i32) -> (i32, i32) {
    %c0_i32 = arith.constant 0 : i32
    %c0_i32_0 = arith.constant 0 : i32
    %c0_i32_1 = arith.constant 0 : i32
    return %c0_i32, %c0_i32_0 : i32, i32
  }
  func.func @transform_6(%arg0: i32) -> (i32, i32) {
    %c0_i32 = arith.constant 0 : i32
    %c0_i32_0 = arith.constant 0 : i32
    %c0_i32_1 = arith.constant 0 : i32
    return %c0_i32, %c0_i32_0 : i32, i32
  }
  func.func @transform_7(%arg0: i32) -> (i32, i32) {
    %c0_i32 = arith.constant 0 : i32
    %c0_i32_0 = arith.constant 0 : i32
    %c0_i32_1 = arith.constant 0 : i32
    return %c0_i32, %c0_i32_0 : i32, i32
  }
  func.func @transform_8(%arg0: i32) -> (i32, i32) {
    %c0_i32 = arith.constant 0 : i32
    %c0_i32_0 = arith.constant 0 : i32
    return %arg0, %c0_i32 : i32, i32
  }
}

module attributes {stable_mosaic.version = 14 : i64} {
  func.func @_gru_body(%arg0: i32, %arg1: memref<1000x384xf32, #tpu.memory_space<vmem>>, %arg2: memref<128x384xf32, #tpu.memory_space<vmem>>, %arg3: memref<1x384xf32, #tpu.memory_space<vmem>>, %arg4: memref<128x10000xf32, #tpu.memory_space<vmem>>, %arg5: memref<1x10000xf32, #tpu.memory_space<vmem>>, %arg6: memref<1x10000xf32, #tpu.memory_space<vmem>>, %arg7: memref<1x10000xf32, #tpu.memory_space<vmem>>, %arg8: memref<1x10000xf32, #tpu.memory_space<vmem>>, %arg9: memref<8x128xf32, #tpu.memory_space<vmem>>) attributes {dimension_semantics = [#tpu.dimension_semantics<arbitrary>], iteration_bounds = array<i64: 10>, scalar_prefetch = 0 : i64, scratch_operands = 1 : i64, tpu.core_type = #tpu.core_type<tc>, window_params = [{transform_indices = @transform_0, window_bounds = array<i64: 1000, 384>}, {pipeline_mode = #tpu.pipeline_mode<synchronous>, transform_indices = @transform_1, window_bounds = array<i64: 128, 384>}, {pipeline_mode = #tpu.pipeline_mode<synchronous>, transform_indices = @transform_2, window_bounds = array<i64: 1, 384>}, {pipeline_mode = #tpu.pipeline_mode<synchronous>, transform_indices = @transform_3, window_bounds = array<i64: 128, 10000>}, {pipeline_mode = #tpu.pipeline_mode<synchronous>, transform_indices = @transform_4, window_bounds = array<i64: 1, 10000>}, {pipeline_mode = #tpu.pipeline_mode<synchronous>, transform_indices = @transform_5, window_bounds = array<i64: 1, 10000>}, {pipeline_mode = #tpu.pipeline_mode<synchronous>, transform_indices = @transform_6, window_bounds = array<i64: 1, 10000>}, {pipeline_mode = #tpu.pipeline_mode<synchronous>, transform_indices = @transform_7, window_bounds = array<i64: 1, 10000>}]} {
    %eq3A = arith.constant 0 : i32
    %eq3A_0 = arith.cmpi eq, %arg0, %eq3A : i32
    %convert_element_type3A = arith.extui %eq3A_0 : i1 to i32
    %cond3A = arith.constant 0 : i32
    %cond3A_1 = arith.cmpi ne, %convert_element_type3A, %cond3A : i32
    scf.if %cond3A_1 {
      %broadcast_in_dim3A = arith.constant 0.000000e+00 : f32
      %broadcast_in_dim3A_22 = vector.broadcast %broadcast_in_dim3A : f32 to vector<8x128xf32>
      %swap3A_23 = arith.constant 0 : index
      %swap3A_24 = arith.constant 0 : index
      %swap3A_25 = vector.load %arg9[%swap3A_23, %swap3A_24] : memref<8x128xf32, #tpu.memory_space<vmem>>, vector<8x128xf32>
      tpu.vector_store %arg9[%swap3A_23, %swap3A_24], %broadcast_in_dim3A_22 {strides = array<i32>} : memref<8x128xf32, #tpu.memory_space<vmem>>, vector<8x128xf32>,
    } else {
    }
    %get3A = arith.constant 0 : index
    %get3A_2 = arith.constant 0 : index
    %get3A_3 = vector.load %arg2[%get3A, %get3A_2] : memref<128x384xf32, #tpu.memory_space<vmem>>, vector<128x384xf32>
    %get3A_4 = arith.constant 0 : index
    %get3A_5 = arith.constant 0 : index
    %get3A_6 = vector.load %arg3[%get3A_4, %get3A_5] : memref<1x384xf32, #tpu.memory_space<vmem>>, vector<1x384xf32>
    %get3A_7 = arith.constant 0 : index
    %get3A_8 = arith.constant 0 : index
    %get3A_9 = vector.load %arg9[%get3A_7, %get3A_8] : memref<8x128xf32, #tpu.memory_space<vmem>>, vector<1x128xf32>
    %scan3A = arith.constant 0 : i32
    %scan3A_10 = arith.constant 1000 : i32
    %scan3A_11 = arith.addi %scan3A, %scan3A_10 : i32
    %scan3A_12 = arith.constant 1 : i32
    %scan3A_13 = scf.for %scan3A_22 = %scan3A to %scan3A_11 step %scan3A_12 iter_args(%scan3A_23 = %get3A_9) -> (vector<1x128xf32>)  : i32 {
      %dot_general3A = arith.constant dense<0.000000e+00> : vector<1x384xf32>
      %dot_general3A_24 = tpu.matmul %scan3A_23, %get3A_3, %dot_general3A {dimension_numbers = #tpu.dot_dimension_numbers<[1], [0], [0], [1], [0, 0, 1, 1], [], []>, transpose_lhs_hint = false} : vector<1x128xf32>, vector<128x384xf32>, vector<1x384xf32> -> vector<1x384xf32>
      %add3A = arith.addf %dot_general3A_24, %get3A_6 : vector<1x384xf32>
      %get3A_25 = arith.index_cast %scan3A_22 : i32 to index
      %get3A_26 = arith.constant 0 : index
      %get3A_27 = vector.load %arg1[%get3A_25, %get3A_26] : memref<1000x384xf32, #tpu.memory_space<vmem>>, vector<1x384xf32>
      %slice3A = vector.extract_strided_slice %get3A_27 {offsets = [0, 0], sizes = [1, 128], strides = [1, 1]} : vector<1x384xf32> to vector<1x128xf32>
      %slice3A_28 = vector.extract_strided_slice %add3A {offsets = [0, 0], sizes = [1, 128], strides = [1, 1]} : vector<1x384xf32> to vector<1x128xf32>
      %add3A_29 = arith.addf %slice3A, %slice3A_28 : vector<1x128xf32>
      %logistic3A = arith.negf %add3A_29 : vector<1x128xf32>
      %logistic3A_30 = math.exp %logistic3A : vector<1x128xf32>
      %logistic3A_31 = arith.constant 1.000000e+00 : f32
      %logistic3A_32 = vector.broadcast %logistic3A_31 : f32 to vector<1x128xf32>
      %logistic3A_33 = arith.addf %logistic3A_32, %logistic3A_30 : vector<1x128xf32>
      %logistic3A_34 = arith.divf %logistic3A_32, %logistic3A_33 : vector<1x128xf32>
      %slice3A_35 = vector.extract_strided_slice %get3A_27 {offsets = [0, 128], sizes = [1, 128], strides = [1, 1]} : vector<1x384xf32> to vector<1x128xf32>
      %slice3A_36 = vector.extract_strided_slice %add3A {offsets = [0, 128], sizes = [1, 128], strides = [1, 1]} : vector<1x384xf32> to vector<1x128xf32>
      %add3A_37 = arith.addf %slice3A_35, %slice3A_36 : vector<1x128xf32>
      %logistic3A_38 = arith.negf %add3A_37 : vector<1x128xf32>
      %logistic3A_39 = math.exp %logistic3A_38 : vector<1x128xf32>
      %logistic3A_40 = arith.constant 1.000000e+00 : f32
      %logistic3A_41 = vector.broadcast %logistic3A_40 : f32 to vector<1x128xf32>
      %logistic3A_42 = arith.addf %logistic3A_41, %logistic3A_39 : vector<1x128xf32>
      %logistic3A_43 = arith.divf %logistic3A_41, %logistic3A_42 : vector<1x128xf32>
      %slice3A_44 = vector.extract_strided_slice %get3A_27 {offsets = [0, 256], sizes = [1, 128], strides = [1, 1]} : vector<1x384xf32> to vector<1x128xf32>
      %slice3A_45 = vector.extract_strided_slice %add3A {offsets = [0, 256], sizes = [1, 128], strides = [1, 1]} : vector<1x384xf32> to vector<1x128xf32>
      %mul3A = arith.mulf %logistic3A_34, %slice3A_45 : vector<1x128xf32>
      %add3A_46 = arith.addf %slice3A_44, %mul3A : vector<1x128xf32>
      %tanh3A = math.tanh %add3A_46 : vector<1x128xf32>
      %sub3A = arith.constant 1.000000e+00 : f32
      %sub3A_47 = vector.broadcast %sub3A : f32 to vector<1x128xf32>
      %sub3A_48 = arith.subf %sub3A_47, %logistic3A_43 : vector<1x128xf32>
      %mul3A_49 = arith.mulf %sub3A_48, %tanh3A : vector<1x128xf32>
      %mul3A_50 = arith.mulf %logistic3A_43, %scan3A_23 : vector<1x128xf32>
      %add3A_51 = arith.addf %mul3A_49, %mul3A_50 : vector<1x128xf32>
      scf.yield %add3A_51 : vector<1x128xf32>
    }
    %scan3A_14 = arith.constant 1000 : i32
    %swap3A = arith.constant 0 : index
    %swap3A_15 = arith.constant 0 : index
    %swap3A_16 = vector.load %arg9[%swap3A, %swap3A_15] : memref<8x128xf32, #tpu.memory_space<vmem>>, vector<1x128xf32>
    tpu.vector_store %arg9[%swap3A, %swap3A_15], %scan3A_13 {strides = array<i32>} : memref<8x128xf32, #tpu.memory_space<vmem>>, vector<1x128xf32>,
    %eq3A_17 = arith.constant 9 : i32
    %eq3A_18 = arith.cmpi eq, %arg0, %eq3A_17 : i32
    %convert_element_type3A_19 = arith.extui %eq3A_18 : i1 to i32
    %cond3A_20 = arith.constant 0 : i32
    %cond3A_21 = arith.cmpi ne, %convert_element_type3A_19, %cond3A_20 : i32
    scf.if %cond3A_21 {
      %get3A_22 = arith.constant 0 : index
      %get3A_23 = arith.constant 0 : index
      %get3A_24 = vector.load %arg4[%get3A_22, %get3A_23] : memref<128x10000xf32, #tpu.memory_space<vmem>>, vector<128x10000xf32>
      %dot_general3A = arith.constant dense<0.000000e+00> : vector<1x10000xf32>
      %dot_general3A_25 = tpu.matmul %scan3A_13, %get3A_24, %dot_general3A {dimension_numbers = #tpu.dot_dimension_numbers<[1], [0], [0], [1], [0, 0, 1, 1], [], []>, transpose_lhs_hint = false} : vector<1x128xf32>, vector<128x10000xf32>, vector<1x10000xf32> -> vector<1x10000xf32>
      %get3A_26 = arith.constant 0 : index
      %get3A_27 = arith.constant 0 : index
      %get3A_28 = vector.load %arg5[%get3A_26, %get3A_27] : memref<1x10000xf32, #tpu.memory_space<vmem>>, vector<1x10000xf32>
      %add3A = arith.addf %dot_general3A_25, %get3A_28 : vector<1x10000xf32>
      %swap3A_29 = arith.constant 0 : index
      %swap3A_30 = arith.constant 0 : index
      %swap3A_31 = vector.load %arg7[%swap3A_29, %swap3A_30] : memref<1x10000xf32, #tpu.memory_space<vmem>>, vector<1x10000xf32>
      tpu.vector_store %arg7[%swap3A_29, %swap3A_30], %add3A {strides = array<i32>} : memref<1x10000xf32, #tpu.memory_space<vmem>>, vector<1x10000xf32>,
      %get3A_32 = arith.constant 0 : index
      %get3A_33 = arith.constant 0 : index
      %get3A_34 = vector.load %arg6[%get3A_32, %get3A_33] : memref<1x10000xf32, #tpu.memory_space<vmem>>, vector<1x10000xf32>
      %jit3A = arith.constant -1.000000e+01 : f32
      %jit3A_35 = arith.constant 2.000000e+00 : f32
      %max3A = vector.broadcast %jit3A : f32 to vector<1x10000xf32>
      %max3A_36 = arith.maximumf %max3A, %get3A_34 : vector<1x10000xf32>
      %min3A = vector.broadcast %jit3A_35 : f32 to vector<1x10000xf32>
      %min3A_37 = arith.minimumf %min3A, %max3A_36 : vector<1x10000xf32>
      %exp3A = math.exp %min3A_37 : vector<1x10000xf32>
      %swap3A_38 = arith.constant 0 : index
      %swap3A_39 = arith.constant 0 : index
      %swap3A_40 = vector.load %arg8[%swap3A_38, %swap3A_39] : memref<1x10000xf32, #tpu.memory_space<vmem>>, vector<1x10000xf32>
      tpu.vector_store %arg8[%swap3A_38, %swap3A_39], %exp3A {strides = array<i32>} : memref<1x10000xf32, #tpu.memory_space<vmem>>, vector<1x10000xf32>,
    } else {
    }
    return
  }
  func.func @transform_0(%arg0: i32) -> (i32, i32) {
    %c0_i32 = arith.constant 0 : i32
    %c0_i32_0 = arith.constant 0 : i32
    return %arg0, %c0_i32 : i32, i32
  }
  func.func @transform_1(%arg0: i32) -> (i32, i32) {
    %c0_i32 = arith.constant 0 : i32
    %c0_i32_0 = arith.constant 0 : i32
    %c0_i32_1 = arith.constant 0 : i32
    return %c0_i32, %c0_i32_0 : i32, i32
  }
  func.func @transform_2(%arg0: i32) -> (i32, i32) {
    %c0_i32 = arith.constant 0 : i32
    %c0_i32_0 = arith.constant 0 : i32
    %c0_i32_1 = arith.constant 0 : i32
    return %c0_i32, %c0_i32_0 : i32, i32
  }
  func.func @transform_3(%arg0: i32) -> (i32, i32) {
    %c0_i32 = arith.constant 0 : i32
    %c0_i32_0 = arith.constant 0 : i32
    %c0_i32_1 = arith.constant 0 : i32
    return %c0_i32, %c0_i32_0 : i32, i32
  }
  func.func @transform_4(%arg0: i32) -> (i32, i32) {
    %c0_i32 = arith.constant 0 : i32
    %c0_i32_0 = arith.constant 0 : i32
    %c0_i32_1 = arith.constant 0 : i32
    return %c0_i32, %c0_i32_0 : i32, i32
  }
  func.func @transform_5(%arg0: i32) -> (i32, i32) {
    %c0_i32 = arith.constant 0 : i32
    %c0_i32_0 = arith.constant 0 : i32
    %c0_i32_1 = arith.constant 0 : i32
    return %c0_i32, %c0_i32_0 : i32, i32
  }
  func.func @transform_6(%arg0: i32) -> (i32, i32) {
    %c0_i32 = arith.constant 0 : i32
    %c0_i32_0 = arith.constant 0 : i32
    %c0_i32_1 = arith.constant 0 : i32
    return %c0_i32, %c0_i32_0 : i32, i32
  }
  func.func @transform_7(%arg0: i32) -> (i32, i32) {
    %c0_i32 = arith.constant 0 : i32
    %c0_i32_0 = arith.constant 0 : i32
    %c0_i32_1 = arith.constant 0 : i32
    return %c0_i32, %c0_i32_0 : i32, i32
  }
}

</mosaic_0001>

<sc_bundles>
// kernel: kernel.6.cloned.1.call-start
scs
__scs_entry_jumppad:
0x0: {  	(pc) =	sbr.rel $0x88, $3  }
0x1: {  	(tag) =	ssettag $0x0;
	lr =	simm.s32 $0x1  }
0x2: {  	[smem:$0x3F94] =	sst lr;
	_ =	strace $0xD0000000  }
0x3: {  	_ = 	snop  }
0x4: {  	_ = 	snop  }
0x5: {  	_ = 	snop  }
0x6: {  	_ = 	snop  }
0x7: {  	_ = 	snop  }
__scs_overlays_trampoline_lowered:
0x8: {  	[smem:$0x3FA3] =	sst s0  }
0x9: {  	[smem:$0x3FA4] =	sst s1  }
0xa: {  	[smem:$0x3FA5] =	sst s2  }
0xb: {  	[smem:$0x3FA6] =	sst s3  }
0xc: {  	[smem:$0x3FA7] =	sst s4  }
0xd: {  	[smem:$0x3FA8] =	sst s5  }
0xe: {  	[smem:$0x3FA9] =	sst s6  }
0xf: {  	[smem:$0x3FAA] =	sst s7  }
0x10: {  	[smem:$0x3FAB] =	sst s8  }
0x11: {  	[smem:$0x3FAC] =	sst s9;
	s0 =	simm.s32 @!p0 $0x0  }
0x12: {  	s1 =	sld [smem:$0x3F92];
	s0 =	simm.s32 @p0 $0x1  }
0x13: {  	[smem:$0x3FAD] =	sst s0;
	s0 =	simm.s32 @!p1 $0x0  }
0x14: {  	s2 =	sld [smem:$0x3F91];
	s0 =	simm.s32 @p1 $0x1  }
0x15: {  	[smem:$0x3FAE] =	sst s0;
	s0 =	simm.s32 @!p2 $0x0  }
0x16: {  	s3 =	sld [smem:$0x3FDB];
	s0 =	simm.s32 @p2 $0x1  }
0x17: {  	s4 =	simm.s32 $0x1BF5;
	[smem:$0x3FB0] =	sst s0  }
0x18: {  	s0 =	sld [smem:$0x3F93];
	_ =	swait.ge [sflag:s4], $0x0  }
0x19: {  	s7 =	sld [smem:$0x3F94]  }
0x1a: {  	s8 =	sadd.s32 $0xFFFFE003, lr  }
0x1b: {  	s9 =	sadd.s32 $0xFFFFFEF7, lr;
	s5 =	simm.s32 $0xFFFFFFFF;
	p2 =	slt.u32 s8, $0xFFFFF086  }
0x1c: {  	p1 =	slt.u32 s9, $0xF7A;
	s5 =	simm.s32 @!p2 $0x0  }
0x1d: {  	s5 =	simm.s32 @p1 $0x1;
	p0 =	seq.s32 s7, s2  }
0x1e: {  	s7 =	smul.u32 @!p0 $0xF7A, s2;
	p2 =	seq.s32 @!p0 s5, $0x0  }
0x1f: {  	s9 =	smul.u32 $0xF7A, s1;
	s8 =	simm.s32 @!p0 $0x1BF5;
	p2 =	por !p2, p0  }
0x20: {  	[sflag:s8] =	ssyncset.s32 @!p0 $0xFFFFF086;
	s6 =	sadd.s32 @!p0 s3, s7;
	s7 =	simm.s32 @!p0 $0x108  }
0x21: {  	s3 =	sadd.s32 s3, s9;
	s6 =	sadd.s32 @!p0 $0x88, s6;
	s7 =	simm.s32 @p2 $0x1082  }
0x22: {  	[simem:s7], [sflag:s8] =	dma.local @!p0 [hbm:s6], $0xF7A  }
0x23: {  	s9 =	sor.u32 $0xD0000000, s2;
	s6 =	simm.s32 $0x108;
	_ =	swait.ge @!p0 [sflag:s8], $0x0  }
0x24: {  	s3 =	sadd.s32 $0x88, s3;
	s6 =	simm.s32 @!p1 $0x1082;
	[sflag:s4] =	ssyncset.s32 $0xFFFFF086  }
0x25: {  	[simem:s6], [sflag:s4] =	dma.local [hbm:s3], $0xF7A  }
0x26: {  	[smem:$0x3F94] =	sst s1;
	(tag) =	ssettag s2;
	_ =	strace s9  }
0x27: {  	s1 =	sld [smem:$0x3FA4]  }
0x28: {  	s2 =	sld [smem:$0x3FA5]  }
0x29: {  	s4 =	sld [smem:$0x3FA7]  }
0x2a: {  	p0 =	seq.s32 s5, $0x0;
	s5 =	sld [smem:$0x3FA8]  }
0x2b: {  	s6 =	sld [smem:$0x3FA9]  }
0x2c: {  	s7 =	sld [smem:$0x3FAA]  }
0x2d: {  	s3 =	simm.s32 $0x108;
	s8 =	sld [smem:$0x3FAB]  }
0x2e: {  	s3 =	simm.s32 @!p0 $0x1082;
	s9 =	sld [smem:$0x3FAC]  }
0x2f: {  	lr =	sadd.s32 s0, s3;
	s0 =	sld [smem:$0x3FA3]  }
0x30: {  	s3 =	sld [smem:$0x3FA6]  }
0x31: {  	[smem:$0x3FAF] =	sst s10  }
0x32: {  	s10 =	sld [smem:$0x3FAD];
	_ =	sdelay $0x3  }
0x33: {  	p0 =	seq.s32 s10, $0x1;
	s10 =	sld [smem:$0x3FAF];
	_ =	sdelay $0x3  }
0x34: {  	[smem:$0x3FAF] =	sst s10  }
0x35: {  	s10 =	sld [smem:$0x3FAE];
	_ =	sdelay $0x3  }
0x36: {  	p1 =	seq.s32 s10, $0x1;
	s10 =	sld [smem:$0x3FAF];
	_ =	sdelay $0x3  }
0x37: {  	[smem:$0x3FAF] =	sst s10  }
0x38: {  	s10 =	sld [smem:$0x3FB0]  }
0x39: {  	_ = 	snop;
	(pc) =	sbr.ind lr, $3  }
0x3a: {  	_ = 	snop  }
0x3b: {  	_ = 	snop  }
0x3c: {  	p2 =	seq.s32 s10, $0x1;
	s10 =	sld [smem:$0x3FAF]  }
0x3d: {  	_ =	shalt  }
0x3e: {  	_ =	shalt  }
0x3f: {  	_ =	shalt  }
0x40: {  	_ =	shalt  }
0x41: {  	_ =	shalt  }
0x42: {  	_ =	shalt  }
0x43: {  	_ =	shalt  }
0x44: {  	_ =	shalt  }
0x45: {  	_ =	shalt  }
0x46: {  	_ =	shalt  }
0x47: {  	_ =	shalt  }
0x48: {  	_ =	shalt  }
0x49: {  	_ =	shalt  }
0x4a: {  	_ =	shalt  }
0x4b: {  	_ =	shalt  }
0x4c: {  	_ =	shalt  }
0x4d: {  	_ =	shalt  }
0x4e: {  	_ =	shalt  }
0x4f: {  	_ =	shalt  }
0x50: {  	_ =	shalt  }
0x51: {  	_ =	shalt  }
0x52: {  	_ =	shalt  }
0x53: {  	_ =	shalt  }
0x54: {  	_ =	shalt  }
0x55: {  	_ =	shalt  }
0x56: {  	_ =	shalt  }
0x57: {  	_ =	shalt  }
0x58: {  	_ =	shalt  }
0x59: {  	_ =	shalt  }
0x5a: {  	_ =	shalt  }
0x5b: {  	_ =	shalt  }
0x5c: {  	_ =	shalt  }
0x5d: {  	_ =	shalt  }
0x5e: {  	_ =	shalt  }
0x5f: {  	_ =	shalt  }
0x60: {  	_ =	shalt  }
0x61: {  	_ =	shalt  }
0x62: {  	_ =	shalt  }
0x63: {  	_ =	shalt  }
0x64: {  	_ =	shalt  }
0x65: {  	_ =	shalt  }
0x66: {  	_ =	shalt  }
0x67: {  	_ =	shalt  }
0x68: {  	_ =	shalt  }
0x69: {  	_ =	shalt  }
0x6a: {  	_ =	shalt  }
0x6b: {  	_ =	shalt  }
0x6c: {  	_ =	shalt  }
0x6d: {  	_ =	shalt  }
0x6e: {  	_ =	shalt  }
0x6f: {  	_ =	shalt  }
0x70: {  	_ =	shalt  }
0x71: {  	_ =	shalt  }
0x72: {  	_ =	shalt  }
0x73: {  	_ =	shalt  }
0x74: {  	_ =	shalt  }
0x75: {  	_ =	shalt  }
0x76: {  	_ =	shalt  }
0x77: {  	_ =	shalt  }
0x78: {  	_ =	shalt  }
0x79: {  	_ =	shalt  }
0x7a: {  	_ =	shalt  }
0x7b: {  	_ =	shalt  }
0x7c: {  	_ =	shalt  }
0x7d: {  	_ =	shalt  }
0x7e: {  	_ =	shalt  }
0x7f: {  	_ =	shalt  }
0x80: {  	_ =	shalt  }
0x81: {  	_ =	shalt  }
0x82: {  	_ =	shalt  }
0x83: {  	_ =	shalt  }
0x84: {  	_ =	shalt  }
0x85: {  	_ =	shalt  }
0x86: {  	_ =	shalt  }
0x87: {  	_ =	shalt  }
.Lfunc_end0:
.L_simem_size_0:
called_computation_lowered:
.L_overlay_start_0:
0x88: {  	s2 =	sld [smem:$0x3FD9]  }
0x89: {  	s3 =	sld [smem:$0x3FFE];
	_ =	sdelay $0x1  }
0x8a: {  	s1 =	srdreg.scid  }
0x8b: {  	s0 =	sand.u32 $0x1, s1  }
0x8c: {  	s14 =	sshll.u32 s0, $0xA;
	s2 =	sadd.s32 s3, s2  }
0x8d: {  	s2 =	sadd.s32 s2, s14  }
0x8e: {  	[smem:$0x3FBB] =	sst s2  }
0x8f: {  	_ = 	snop  }
0x90: {  	s2 =	sld [smem:$0x3FD0];
	_ =	sdelay $0x2  }
0x91: {  	s15 =	simm.s32 $0xA;
	s4 =	simm.s32 $0x10  }
0x92: {  	[smem:s4], [sflag:s15] =	dma.local [hbm:s2], $0x1  }
0x93: {  	_ =	swait.eq [sflag:s15], $0x1  }
0x94: {  	[sflag:s15] =	ssyncset.done $0x0  }
0x95: {  	[sflag:s15] =	ssyncadd.s32 $0xFFFFFFFF  }
0x96: {  	s16 =	sld [smem:$0x11];
	(tm) =	ssettm $0x1  }
0x97: {  	s17 =	sld [smem:$0x3FFB];
	_ =	sdelay $0x3  }
0x98: {  	_ =	strace s17  }
0x99: {  	s3 =	sld [smem:$0x3FFC];
	_ =	sdelay $0x3  }
0x9a: {  	_ =	strace s3  }
0x9b: {  	s3 =	sld [smem:$0x3FFD];
	_ =	sdelay $0x3  }
0x9c: {  	_ =	strace s3  }
0x9d: {  	_ =	strace $0x8FFFFFFF  }
0x9e: {  	s18 =	sld [smem:$0x3FDB];
	_ =	sdelay $0x1  }
0x9f: {  	s19 =	simm.s32 $_scs_section_size  }
0xa0: {  	s5 =	simm.s32 $_size__tile_overlayer_lowered;
	s6 =	simm.s32 $_tile_overlayer_lowered  }
0xa1: {  	s22 =	simm.s32 $0x1BFF;
	s21 =	sshll.u32 s6, $0x1;
	s3 =	sadd.s32 s19, s18  }
0xa2: {  	s7 =	simm.s32 $0x0;
	s20 =	sshll.u32 s5, $0x1;
	s5 =	sadd.s32 s21, s3  }
0xa3: {  	[timem:s7], [sflag:s22] =	dma.local [hbm:s5], s20  }
0xa4: {  	_ =	swait.ge [sflag:s22], s20  }
0xa5: {  	s4 =	ssub.s32 $0x0, s20;
	[sflag:s22] =	ssyncset.done $0x0  }
0xa6: {  	[sflag:s22] =	ssyncadd.s32 s4;
	_ =	sdelay $0x1  }
0xa7: {  	s23 =	simm.s32 $0x1B8B  }
0xa8: {  	_ =	swait.ge [sflag:s23], $0x1  }
0xa9: {  	[sflag:s23] =	ssyncset.done $0x0  }
0xaa: {  	s25 =	simm.s32 $0x1B8E;
	s24 =	sld [smem:$0x3FFE];
	[sflag:s23] =	ssyncadd.s32 $0xFFFFFFFF  }
0xab: {  	s26 =	simm.s32 $execute0_lowered;
	[smem:$0x3FD2] =	sst s25  }
0xac: {  	s5 =	sshll.u32 s26, $0x1;
	_ =	strace $0x80000046;
	[dreg:$0x1] =	wrdreg $0xFFFFFFFF  }
0xad: {  	s28 =	simm.s32 $_size_execute0_lowered;
	s3 =	sadd.s32 s3, s5;
	[dreg:$0x0] =	wrdreg $0x0  }
0xae: {  	s5 =	sshll.u32 s28, $0x1;
	[dreg:$0x2] =	wrdreg s3  }
0xaf: {  	[dreg:$0x3] =	wrdreg s5  }
0xb0: {  	[dreg:$0x4] =	wrdreg $0xC0  }
0xb1: {  	_ =	task [dreg:s7], $0x5FFFF  }
0xb2: {  	[dreg:$0x1] =	wrdreg $0xFFFFFFFF  }
0xb3: {  	[dreg:$0x0] =	wrdreg $0x60  }
0xb4: {  	[dreg:$0x2] =	wrdreg s24  }
0xb5: {  	[dreg:$0x3] =	wrdreg s16  }
0xb6: {  	[dreg:$0x4] =	wrdreg $0xA7000  }
0xb7: {  	[dreg:$0x5] =	wrdreg $0x1E3000  }
0xb8: {  	[dreg:$0x6] =	wrdreg $0x9  }
0xb9: {  	_ =	task.clear_ibuf [dreg:s7], $0x7FFFF;
	_ =	strace $0x90000046  }
0xba: {  	s29 =	simm.s32 $0x9;
	_ =	strace $0x80000048  }
0xbb: {  	_ =	swait.ge [sflag:s29], $0x1  }
0xbc: {  	[sflag:s29] =	ssyncadd.s32 $0xFFFFFFFF  }
0xbd: {  	_ =	strace $0x90000048  }
0xbe: {  	_ =	sfence  }
0xbf: {  	s30 =	sld [smem:$0x0];
	_ =	sdelay $0x2  }
0xc0: {  	s31 =	sshll.u32 s1, $0xD;
	s1 =	sshrl.u32 s1, $0x2  }
0xc1: {  	s3 =	sand.u32 $0x4000, s31;
	s1 =	sadd.s32 s1, s30  }
0xc2: {  	s0 =	sor.u32 s3, s0;
	s1 =	sshll.u32 s1, $0x11  }
0xc3: {  	s0 =	sor.u32 s1, s0  }
0xc4: {  	s0 =	sadd.s32 $0x8F2B, s0  }
0xc5: {  	[sflag:s0] =	ssyncadd.remote.s32 $0x1  }
0xc6: {  	_ =	sfence.sel $0xFFFF  }
0xc7: {  	[dreg:$0x0] =	wrdreg $0xFFFFFFFF;
	(pc) =	sbr.abs _section_cstart, $3  }
0xc8: {  	[dreg:$0x1] =	wrdreg $0xFFFFFFFF  }
0xc9: {  	_ =	task.clear_ibuf [dreg:s7], $0x2FFFF;
	_ =	strace $0x9FFFFFFF  }
0xca: {  	(tm) =	ssettm $0x7FFFFFFF  }
0xcb: {  	_ =	shalt  }
tec
execute0_lowered:
.L_overlay_start_1:
0x0: {  	(tag) =	ssettag $0x1  }
0x1: {  	s0 =	rddreg [dreg:$0x0]  }
0x2: {  	s3 =	rddreg [dreg:$0x1]  }
0x3: {  	s1 =	rddreg [dreg:$0x2]  }
0x4: {  	s2 =	rddreg [dreg:$0x3];
	s5 =	simm.s32 $0x0;
	s4 =	srdreg.scid  }
0x5: {  	v0 =	vimm.s32 $0xFEDCBA98;
	s15 =	stileid.u32;
	s16 =	simm.s32 $0x2;
	s20 =	simm.s32 $0x80  }
0x6: {  	v1 =	vimm.s32 $0x76543210;
	v2 =	vimm.s32 $0xBA98FEDC;
	s28 =	simm.s32 $0x280;
	s29 =	simm.s32 $0x7B00;
	s30 =	simm.s32 $0x0  }
0x7: {  	v3 =	vimm.s32 $0x32107654;
	v4 =	vimm.s32 $0xDCFE98BA;
	[smem:$0x7FF] =	sst s5;
	s4 =	sand.u32 $0x1, s4;
	s5 =	sadd.s32 $0x5AA00, s0  }
0x8: {  	v5 =	vimm.s32 $0x54761032;
	s11 =	smul.u32 $0x13C00, s15;
	s6 =	sadd.s32 $0xC800, s0;
	s7 =	sadd.s32 $0x7800, s0  }
0x9: {  	v6 =	vimm.s32 $0xEFCDAB89;
	s8 =	sadd.s32 $0x2800, s0;
	s9 =	sadd.s32 $0xA8C00, s0;
	s21 =	smul.u32 $0x4F000, s15  }
0xa: {  	v7 =	vimm.s32 $0x67452301;
	v8 =	vimm.s32 $0xFFFFFFFE;
	s12 =	sshll.u32 s15, $0x8;
	s25 =	sshll.u32 s15, $0xB;
	s31 =	sshll.u32 s15, $0x6  }
0xb: {  	v9 =	vimm.s32 $0xFFFFFFFD;
	v10 =	vimm.s32 $0xFFFFFFFC;
	v11 =	vimm.s32 $0xFFFFFFFB;
	s10 =	smul.u32 $0x13C000, s4;
	_ =	strace $0x80000047;
	s13 =	ssub.s32 $0x2, s4  }
0xc: {  	v12 =	vimm.s32 $0xFFFFFFFA;
	v13 =	vimm.s32 $0xFFFFFFF9;
	v0 =	vunpack.c.l.s4.s8 v0;
	s23 =	sshll.u32 s4, $0x7;
	s26 =	sadd.s32 s25, s2;
	s14 =	sshll.u32 s4, $0xC  }
0xd: {  	v1 =	vunpack.c.l.s4.s8 v1;
	v2 =	vunpack.c.l.s4.s8 v2;
	v3 =	vunpack.c.l.s4.s8 v3;
	s4 =	smul.u32 $0x2710, s4;
	s17 =	sor.u32 $0x1C02, s31;
	s25 =	simm.s32 $0x1  }
0xe: {  	v4 =	vunpack.c.l.s4.s8 v4;
	v5 =	vunpack.c.l.s4.s8 v5;
	v6 =	vunpack.c.l.s4.s8 v6;
	s22 =	sshrl.u32 s13, $0x1;
	s3 =	sadd.s32 s3, s23;
	s19 =	sshrl.u32 s26, $0x3  }
0xf: {  	v7 =	vunpack.c.l.s4.s8 v7;
	v0 =	vunpack.c.0.s8.s32 v0;
	v2 =	vunpack.c.0.s8.s32 v2;
	s23 =	simm.s32 $0x200;
	s26 =	simm.s32 $0x5300;
	s10 =	sadd.s32 s11, s10  }
0x10: {  	v3 =	vunpack.c.0.s8.s32 v3;
	v4 =	vunpack.c.0.s8.s32 v4;
	v5 =	vunpack.c.0.s8.s32 v5;
	s11 =	sshrl.u32 s21, $0x2;
	[dreg:$0x5] =	wrdreg s3;
	s21 =	simm.s32 $0x50  }
0x11: {  	v1 =	vunpack.c.0.s8.s32 v1;
	v6 =	vunpack.c.0.s8.s32 v6;
	v7 =	vunpack.c.0.s8.s32 v7;
	s10 =	sshrl.u32 s10, $0x3;
	s24 =	sadd.s32 s11, s1;
	s11 =	smul.u32 $0x2710, s15  }
0x12: {  	v0 =	vand.u32 $0xF, v0;
	v2 =	vcombine.low v3, v2;
	v5 =	vcombine.low v5, v4;
	s10 =	sadd.s32 s10, s0;
	s0 =	sadd.s32 s12, s0;
	s12 =	ssub.s32 s13, s22  }
0x13: {  	v6 =	vcombine.low v7, v6;
	v3 =	vlaneseq.u32;
	v4 =	vimm.s32 $0xFFFFFFFF;
	s18 =	sshrl.u32 s24, $0x3;
	s10 =	sadd.s32 $0xAD400, s10;
	s0 =	sadd.s32 s14, s0  }
0x14: {  	v0 =	vcombine.low v0, v1;
	v1 =	vmov s4;
	s22 =	simm.s32 $0x300;
	v7 =	vadd.s32 v4, v3;
	[dreg:$0x6] =	wrdreg s10;
	s0 =	sadd.s32 $0xAB400, s0  }
0x15: {  	s24 =	simm.s32 $0x2B00;
	s14 =	smax.u32 s12, $0x1;
	v2 =	vand.u32 $0xF, v2;
	v5 =	vand.u32 $0xF, v5;
	v6 =	vand.u32 $0xF, v6;
	[dreg:$0x7] =	wrdreg s0  }
.LBB2_1:
0x16: {  	s0 =	simm.s32 $0x0;
	s3 =	rddreg [dreg:$0x5];
	s4 =	simm.s32 $0xA300  }
0x17: {  	[tilespmem:s4], [sflag:$0x2] =	stream.linear.gather [hbm4b:s3+s0], $0x400, $0x38;
	[tilespmem:$0x1EB00] =	vst v63  }
0x18: {  	_ =	swait.ge [sflag:s16], $0x400  }
0x19: {  	[sflag:s16] =	ssyncset.done $0x0  }
0x1a: {  	[sflag:s16] =	ssyncadd.s32 $0xFFFFFC00  }
0x1b: {  	[spmem:s18], [sflag:s17] =	dma.local [hbm:s9], $0x2780  }
0x1c: {  	_ =	swait.ge [sflag:s16], $0x2780  }
0x1d: {  	[sflag:s16] =	ssyncset.done $0x0  }
0x1e: {  	[sflag:s16] =	ssyncadd.s32 $0xFFFFD880  }
0x1f: {  	[spmem:s19], [sflag:s17] =	dma.local [hbm:s9], $0x100  }
0x20: {  	_ =	swait.ge [sflag:s16], $0x100  }
0x21: {  	[sflag:s16] =	ssyncset.done $0x0  }
0x22: {  	[sflag:s16] =	ssyncadd.s32 $0xFFFFFF00  }
0x23: {  	s31 =	simm.s32 $0x0;
	[bflag:$0x0] =	sbarrier.arrive $0xFFFF  }
.LBB2_2:
0x24: {  	s0 =	smul.u32 $0x50, s31;
	_ =	sdelay $0x1  }
0x25: {  	s0 =	sadd.s32 s11, s0  }
0x26: {  	s3 =	sshrl.u32 s0, $0x3  }
0x27: {  	s15 =	simm.s32 $0x0;
	s4 =	sadd.s32 s7, s3  }
0x28: {  	[tilespmem:s15], [sflag:$0x2] =	stream.linear.gather [hbm4b:s4+s15], $0x50, $0x38;
	[tilespmem:$0x1EB00] =	vst v63  }
0x29: {  	_ =	swait.ge [sflag:s16], $0x50  }
0x2a: {  	[sflag:s16] =	ssyncset.done $0x0  }
0x2b: {  	s3 =	sadd.s32 s8, s3;
	[sflag:s16] =	ssyncadd.s32 $0xFFFFFFB0  }
0x2c: {  	[tilespmem:s20], [sflag:$0x2] =	stream.linear.gather [hbm4b:s3+s15], $0x50, $0x38;
	[tilespmem:$0x1EB00] =	vst v63  }
0x2d: {  	_ =	swait.ge [sflag:s16], $0x50  }
0x2e: {  	[sflag:s16] =	ssyncset.done $0x0  }
0x2f: {  	[sflag:s16] =	ssyncadd.s32 $0xFFFFFFB0  }
0x30: {  	v14 =	vld [tilespmem:$0x0]  }
0x31: {  	v15 =	vld [tilespmem:$0x80];
	_ =	sdelay $0x3  }
0x32: {  	v16 =	vld [tilespmem:$0x10]  }
0x33: {  	v18 =	vld [tilespmem:$0x90];
	v14 =	vadd.s32 v1, v14;
	v17 =	vshll.u32 v15, $0x1  }
0x34: {  	[tilespmem:$0x0] =	vst v14;
	v14 =	vand.u32 $0xE, v17;
	v17 =	vshrl.u32 v15, $0x3  }
0x35: {  	[tilespmem:$0x100] =	vst v14;
	v14 =	vand.u32 $0x7, v17  }
0x36: {  	[tilespmem:$0x180] =	vst v14;
	v14 =	vadd.s32 v1, v15  }
0x37: {  	v17 =	vld [tilespmem:$0xA0];
	[tilespmem:$0x200] =	vst v14;
	v14 =	vshrl.u32 v15, $0x6  }
0x38: {  	v15 =	vld [tilespmem:$0x20];
	[tilespmem:$0x280] =	vst v14;
	v14 =	vadd.s32 v1, v16;
	v16 =	vshll.u32 v18, $0x1  }
0x39: {  	[tilespmem:$0x10] =	vst v14;
	v14 =	vand.u32 $0xE, v16;
	v16 =	vshrl.u32 v18, $0x3  }
0x3a: {  	[tilespmem:$0x110] =	vst v14;
	v14 =	vand.u32 $0x7, v16  }
0x3b: {  	[tilespmem:$0x190] =	vst v14;
	v14 =	vadd.s32 v1, v18  }
0x3c: {  	v16 =	vld [tilespmem:$0x30];
	[tilespmem:$0x210] =	vst v14;
	v14 =	vshrl.u32 v18, $0x6  }
0x3d: {  	v18 =	vld [tilespmem:$0xB0];
	[tilespmem:$0x290] =	vst v14;
	v14 =	vadd.s32 v1, v15;
	v15 =	vshll.u32 v17, $0x1  }
0x3e: {  	[tilespmem:$0x20] =	vst v14;
	v14 =	vand.u32 $0xE, v15;
	v15 =	vshrl.u32 v17, $0x3  }
0x3f: {  	[tilespmem:$0x120] =	vst v14;
	v14 =	vand.u32 $0x7, v15  }
0x40: {  	[tilespmem:$0x1A0] =	vst v14;
	v14 =	vadd.s32 v1, v17  }
0x41: {  	v15 =	vld [tilespmem:$0x40];
	[tilespmem:$0x220] =	vst v14;
	v14 =	vshrl.u32 v17, $0x6  }
0x42: {  	v17 =	vld [tilespmem:$0xC0];
	[tilespmem:$0x2A0] =	vst v14;
	v14 =	vadd.s32 v1, v16;
	v16 =	vshll.u32 v18, $0x1  }
0x43: {  	[tilespmem:$0x30] =	vst v14;
	v14 =	vand.u32 $0xE, v16;
	v16 =	vshrl.u32 v18, $0x3  }
0x44: {  	[tilespmem:$0x130] =	vst v14;
	v14 =	vand.u32 $0x7, v16  }
0x45: {  	[tilespmem:$0x1B0] =	vst v14;
	v14 =	vadd.s32 v1, v18  }
0x46: {  	[tilespmem:$0x230] =	vst v14;
	v14 =	vshrl.u32 v18, $0x6  }
0x47: {  	[tilespmem:$0x2B0] =	vst v14;
	v14 =	vadd.s32 v1, v15;
	v15 =	vshll.u32 v17, $0x1  }
0x48: {  	[tilespmem:$0x40] =	vst v14;
	v14 =	vand.u32 $0xE, v15;
	v15 =	vshrl.u32 v17, $0x3  }
0x49: {  	[tilespmem:$0x140] =	vst v14;
	v14 =	vand.u32 $0x7, v15  }
0x4a: {  	[tilespmem:$0x1C0] =	vst v14;
	v14 =	vadd.s32 v1, v17  }
0x4b: {  	[tilespmem:$0x240] =	vst v14;
	v14 =	vshrl.u32 v17, $0x6  }
0x4c: {  	[tilespmem:$0x2C0] =	vst v14  }
0x4d: {  	[tilespmem:s22], [sflag:$0x1] =	stream.indirect.gather [hbm4b:s5+s21], $0x80, s15, s21, $0xb8;
	[tilespmem:$0x1EB00] =	vst v63  }
0x4e: {  	_ = 	snop  }
0x4f: {  	[tilespmem:s24], [sflag:$0x1] =	stream.indirect.gather [hbm4b:s6+s21], $0x80, s23, s21, $0xb8;
	[tilespmem:$0x1EB00] =	vst v63  }
0x50: {  	_ =	swait.ge [sflag:s25], $0x2800  }
0x51: {  	[sflag:s25] =	ssyncset.done $0x0  }
0x52: {  	[sflag:s25] =	ssyncadd.s32 $0xFFFFD800  }
0x53: {  	_ =	swait.ge [sflag:s25], $0x2800  }
0x54: {  	[sflag:s25] =	ssyncset.done $0x0  }
0x55: {  	s0 =	simm.s32 $0x0;
	[sflag:s25] =	ssyncadd.s32 $0xFFFFD800  }
0x56: {  	v14 =	vld [tilespmem:s0+$0x2B30]  }
0x57: {  	v15 =	vld [tilespmem:s0+$0x330]  }
0x58: {  	v16 =	vld [tilespmem:s0+$0x360]  }
0x59: {  	v17 =	vld [tilespmem:s0+$0x2B20]  }
0x5a: {  	v18 =	vld [tilespmem:s0+$0x2B70]  }
0x5b: {  	v19 =	vld [tilespmem:s0+$0x370]  }
0x5c: {  	v20 =	vld [tilespmem:s0+$0x320]  }
0x5d: {  	v21 =	vld [tilespmem:s0+$0x2B50]  }
0x5e: {  	v22 =	vld [tilespmem:s0+$0x2B10]  }
0x5f: {  	v23 =	vld [tilespmem:s0+$0x2B00]  }
0x60: {  	v24 =	vld [tilespmem:s0+$0x300]  }
0x61: {  	v25 =	vld [tilespmem:s0+$0x310]  }
0x62: {  	v26 =	vld [tilespmem:s0+$0x2B40]  }
0x63: {  	v27 =	vld [tilespmem:s0+$0x350]  }
0x64: {  	v28 =	vld [tilespmem:s0+$0x340]  }
0x65: {  	v31 =	vld [tilespmem:s0+$0x2B60]  }
0x66: {  	v29 =	vld [tilespmem:$0xA300];
	v23 =	vadd.f32 v23, v24  }
0x67: {  	v30 =	vld [tilespmem:$0xA380];
	v22 =	vadd.f32 v22, v25;
	v17 =	vadd.f32 v17, v20  }
0x68: {  	v34 =	vld [tilespmem:$0xA580];
	v21 =	vadd.f32 v21, v27;
	v14 =	vadd.f32 v14, v15  }
0x69: {  	v50 =	vld [tilespmem:$0xA400];
	v26 =	vadd.f32 v26, v28;
	v32 =	vmul.f32 $2.000000030e-01, v23;
	v33 =	vmul.f32 $2.000000030e-01, v22  }
0x6a: {  	v51 =	vld [tilespmem:$0xA500];
	v31 =	vadd.f32 v31, v16;
	v35 =	vmul.f32 $2.000000030e-01, v17;
	v52 =	vmul.f32 $2.000000030e-01, v21  }
0x6b: {  	v53 =	vld [tilespmem:$0xA480];
	v54 =	vmul.f32 $2.000000030e-01, v14;
	v23 =	vmax.f32 v23, v32;
	v22 =	vmax.f32 v22, v33  }
0x6c: {  	v18 =	vadd.f32 v18, v19;
	v23 =	vmul.f32 v23, v29;
	v22 =	vmul.f32 v22, v30  }
0x6d: {  	v55 =	vld [tilespmem:$0xA600];
	v56 =	vmul.f32 $2.000000030e-01, v26;
	v57 =	vmul.f32 $2.000000030e-01, v31;
	v17 =	vmax.f32 v17, v35  }
0x6e: {  	v21 =	vmax.f32 v21, v52;
	v17 =	vmul.f32 v17, v50;
	v22 =	vadd.f32 v22, v23  }
0x6f: {  	v58 =	vld [tilespmem:$0xA680];
	v14 =	vmax.f32 v14, v54;
	v21 =	vmul.f32 v21, v34;
	v23 =	vmax.f32 v26, v56  }
0x70: {  	v14 =	vmul.f32 v14, v53;
	v23 =	vmul.f32 v23, v51;
	v17 =	vadd.f32 v17, v22  }
0x71: {  	v59 =	vmul.f32 $2.000000030e-01, v18;
	v60 =	vmax.f32 v31, v57  }
0x72: {  	v29 =	vmul.f32 v60, v55;
	v21 =	vadd.f32 v21, v23;
	v14 =	vadd.f32 v14, v17  }
0x73: {  	v17 =	vmax.f32 v18, v59  }
0x74: {  	v18 =	vadd.f32 v29, v21;
	v17 =	vmul.f32 v17, v58;
	v61 =	vperm.xlane v14, v0;
	_ =	sdelay $0x1  }
0x75: {  	v17 =	vadd.f32 v17, v18;
	v14 =	vadd.f32 v61, v14;
	_ =	sdelay $0x1  }
0x76: {  	v18 =	vperm.xlane v17, v0;
	v21 =	vperm.xlane v14, v2;
	_ =	sdelay $0x1  }
0x77: {  	v17 =	vadd.f32 v18, v17;
	v14 =	vadd.f32 v21, v14;
	_ =	sdelay $0x1  }
0x78: {  	v18 =	vperm.xlane v17, v2;
	v21 =	vperm.xlane v14, v5;
	_ =	sdelay $0x1  }
0x79: {  	v17 =	vadd.f32 v18, v17;
	v14 =	vadd.f32 v21, v14;
	_ =	sdelay $0x1  }
0x7a: {  	v18 =	vperm.xlane v17, v5;
	v21 =	vperm.xlane v14, v6;
	_ =	sdelay $0x1  }
0x7b: {  	v17 =	vadd.f32 v18, v17;
	v14 =	vadd.f32 v21, v14;
	_ =	sdelay $0x1  }
0x7c: {  	v18 =	vperm.xlane v17, v6;
	v14 =	vmul.f32 $1.442695020e+00, v14;
	_ =	sdelay $0x1  }
0x7d: {  	v17 =	vadd.f32 v18, v17;
	(erf) = vpow2.f32 v14;
	_ =	sdelay $0x1  }
0x7e: {  	v14 =	vmul.f32 $1.442695020e+00, v17;
	_ =	sdelay $0x1  }
0x7f: {  	(erf) = vpow2.f32 v14;
	_ =	sdelay $0x4  }
0x80: {  	v18 =	vpop (erf)  }
0x81: {  	v14 =	vmul.f32 v18, v25  }
0x82: {  	v17 =	vmul.f32 v18, v15  }
0x83: {  	v62 =	vmul.f32 v18, v24;
	[tilespmem:s0+$0x5310] =	vst v14  }
0x84: {  	v20 =	vmul.f32 v18, v20;
	v15 =	vpop (erf);
	[tilespmem:s0+$0x5330] =	vst v17  }
0x85: {  	[tilespmem:s0+$0x5300] =	vst v62;
	v63 =	vmul.f32 v15, v27  }
0x86: {  	s10 =	simm.s32 $0x100;
	s12 =	simm.s32 $0x180;
	[tilespmem:s0+$0x5320] =	vst v20;
	v17 =	vmul.f32 v15, v28  }
0x87: {  	s4 =	simm.s32 $0x180;
	s3 =	simm.s32 $0x100;
	s15 =	simm.s32 $0x200;
	v14 =	vmul.f32 v15, v16;
	v16 =	vmul.f32 v15, v19;
	[tilespmem:s0+$0x5350] =	vst v63  }
.LBB2_3:
0x88: {  	p0 =	sne.s32 s15, $0x9E00;
	[tilespmem:s0+$0x5340] =	vst v17;
	s4 =	sadd.s32 $0x1, s4;
	s3 =	sadd.s32 $0x1, s3  }
0x89: {  	s13 =	smov.u32 s15;
	s15 =	sadd.s32 $0x200, s15;
	[tilespmem:s0+$0x5360] =	vst v14  }
0x8a: {  	[tilespmem:s0+$0x5370] =	vst v16  }
0x8b: {  	v14 =	vld.msk [tilespmem:s10+$0x0 ss:$0x0], $0xffff;
	s10 =	smov.u32 s3;
	_ =	sdelay $0x1  }
0x8c: {  	v16 =	vld.msk [tilespmem:s12+$0x0 ss:$0x0], $0xffff;
	s12 =	smov.u32 s4;
	_ =	sdelay $0x3  }
0x8d: {  	v17 =	vsub.s32 v3, v14;
	v14 =	vsub.s32 v7, v14  }
0x8e: {  	v19 =	vsub.s32 $0x0, v17;
	v20 =	vsub.s32 $0x0, v14  }
0x8f: {  	v17 =	vmin.u32 v17, v19;
	v14 =	vmin.u32 v14, v20;
	v19 =	vadd.s32 v13, v16  }
0x90: {  	v20 =	vadd.s32 v11, v16;
	vm0 =	vlt.s32 v17, $0x1;
	vm1 =	vlt.s32 v14, $0x1  }
0x91: {  	v21 =	vadd.s32 v12, v16;
	v17 =	vnsel vm0, $0x1, v17;
	v14 =	vnsel vm1, $0x1, v14  }
0x92: {  	v22 =	vsub.s32 $0x0, v21;
	v17 =	vsub.s32 $0x1, v17;
	v14 =	vsub.s32 $0x1, v14  }
0x93: {  	v23 =	vsub.s32 $0x0, v20;
	v17 =	vcvt.s32.f32 v17;
	v14 =	vcvt.s32.f32 v14  }
0x94: {  	v24 =	vadd.s32 v4, v16;
	v25 =	vadd.s32 v8, v16;
	v26 =	vadd.s32 v9, v16  }
0x95: {  	v17 =	vmul.f32 v17, v18;
	v14 =	vmul.f32 v14, v15;
	v15 =	vmin.u32 v20, v23  }
0x96: {  	v21 =	vmin.u32 v21, v22;
	v18 =	vsub.s32 $0x0, v24;
	v20 =	vadd.s32 v10, v16  }
0x97: {  	v22 =	vadd.f32 v14, v17;
	v14 =	vmin.u32 v24, v18;
	v17 =	vsub.s32 $0x0, v19  }
0x98: {  	vm0 =	vlt.s32 v21, $0x1;
	vm1 =	vlt.s32 v14, $0x1;
	v17 =	vmin.u32 v19, v17  }
0x99: {  	v14 =	vnsel vm1, $0x1, v14;
	vm1 =	vlt.s32 v15, $0x1;
	vm2 =	vlt.s32 v17, $0x1  }
0x9a: {  	v18 =	vsub.s32 $0x0, v25;
	v14 =	vsub.s32 $0x1, v14;
	v17 =	vnsel vm2, $0x1, v17  }
0x9b: {  	v19 =	vsub.s32 $0x0, v16;
	v23 =	vnsel vm1, $0x1, v15;
	v14 =	vcvt.s32.f32 v14  }
0x9c: {  	s13 =	sshra.s32 s13, $0x2;
	v18 =	vmin.u32 v25, v18;
	v16 =	vmin.u32 v16, v19;
	v15 =	vsub.s32 $0x0, v20  }
0x9d: {  	vm1 =	vlt.s32 v18, $0x1;
	v20 =	vmin.u32 v20, v15;
	v24 =	vmul.f32 v14, v22;
	v19 =	vld [tilespmem:s13+$0x2B30]  }
0x9e: {  	vm2 =	vlt.s32 v16, $0x1;
	v18 =	vnsel vm1, $0x1, v18;
	v17 =	vsub.s32 $0x1, v17;
	v15 =	vld [tilespmem:s13+$0x330]  }
0x9f: {  	v16 =	vnsel vm2, $0x1, v16;
	v18 =	vsub.s32 $0x1, v18;
	v25 =	vcvt.s32.f32 v17;
	v14 =	vld [tilespmem:s13+$0x360]  }
0xa0: {  	v16 =	vsub.s32 $0x1, v16;
	vm1 =	vlt.s32 v20, $0x1;
	v17 =	vcvt.s32.f32 v18;
	v27 =	vld [tilespmem:s13+$0x2B20]  }
0xa1: {  	v28 =	vcvt.s32.f32 v16;
	v20 =	vnsel vm1, $0x1, v20;
	v18 =	vld [tilespmem:s13+$0x2B70];
	[tilespmem:s0+$0x7B10] =	vst v24;
	v24 =	vsub.s32 $0x0, v26  }
0xa2: {  	v20 =	vsub.s32 $0x1, v20;
	v29 =	vmul.f32 v17, v22;
	v16 =	vld [tilespmem:s13+$0x370];
	v24 =	vmin.u32 v26, v24  }
0xa3: {  	v20 =	vcvt.s32.f32 v20;
	v26 =	vmul.f32 v28, v22;
	v17 =	vld [tilespmem:s13+$0x320];
	vm1 =	vlt.s32 v24, $0x1  }
0xa4: {  	v23 =	vsub.s32 $0x1, v23;
	v25 =	vmul.f32 v25, v22;
	v28 =	vld [tilespmem:s13+$0x2B50];
	[tilespmem:s0+$0x7B20] =	vst v29;
	v24 =	vnsel vm1, $0x1, v24  }
0xa5: {  	v21 =	vnsel vm0, $0x1, v21;
	v20 =	vmul.f32 v20, v22;
	v29 =	vld [tilespmem:s13+$0x2B40];
	[tilespmem:s0+$0x7B00] =	vst v26;
	v24 =	vsub.s32 $0x1, v24  }
0xa6: {  	v21 =	vsub.s32 $0x1, v21;
	v23 =	vcvt.s32.f32 v23;
	v26 =	vld [tilespmem:s13+$0x2B10];
	v24 =	vcvt.s32.f32 v24;
	[tilespmem:s0+$0x7B70] =	vst v25  }
0xa7: {  	v25 =	vld [tilespmem:s13+$0x2B60];
	[tilespmem:s0+$0x7B40] =	vst v20;
	v20 =	vcvt.s32.f32 v21  }
0xa8: {  	v23 =	vmul.f32 v23, v22;
	v21 =	vld [tilespmem:s13+$0x2B00];
	v27 =	vadd.f32 v27, v17;
	v24 =	vmul.f32 v24, v22  }
0xa9: {  	v30 =	vld [tilespmem:s13+$0x310];
	v20 =	vmul.f32 v20, v22  }
0xaa: {  	v22 =	vld [tilespmem:s13+$0x300];
	v31 =	vmul.f32 $2.000000030e-01, v27;
	[tilespmem:s0+$0x7B30] =	vst v24  }
0xab: {  	v24 =	vld [tilespmem:s13+$0x350];
	[tilespmem:s0+$0x7B60] =	vst v20  }
0xac: {  	v18 =	vadd.f32 v18, v16;
	v20 =	vmax.f32 v27, v31;
	v27 =	vld [tilespmem:s13+$0x340];
	v25 =	vadd.f32 v25, v14;
	[tilespmem:s0+$0x7B50] =	vst v23;
	s0 =	smov.u32 s13;
	_ =	sdelay $0x1  }
0xad: {  	v23 =	vadd.f32 v26, v30;
	v26 =	vmul.f32 $2.000000030e-01, v18  }
0xae: {  	v19 =	vadd.f32 v19, v15;
	v31 =	vmul.f32 $2.000000030e-01, v25;
	v21 =	vadd.f32 v21, v22  }
0xaf: {  	v32 =	vld [tilespmem:$0xA300];
	v33 =	vmul.f32 $2.000000030e-01, v23;
	v28 =	vadd.f32 v28, v24;
	v18 =	vmax.f32 v18, v26  }
0xb0: {  	v34 =	vmul.f32 $2.000000030e-01, v19;
	v25 =	vmax.f32 v25, v31;
	v26 =	vmul.f32 $2.000000030e-01, v21;
	v31 =	vld [tilespmem:$0xA600]  }
0xb1: {  	v23 =	vmax.f32 v23, v33;
	v33 =	vld [tilespmem:$0xA380];
	v35 =	vmul.f32 $2.000000030e-01, v28  }
0xb2: {  	v19 =	vmax.f32 v19, v34;
	v21 =	vmax.f32 v21, v26;
	v26 =	vld [tilespmem:$0xA580]  }
0xb3: {  	v34 =	vld [tilespmem:$0xA400];
	v28 =	vmax.f32 v28, v35  }
0xb4: {  	v29 =	vadd.f32 v29, v27;
	v35 =	vld [tilespmem:$0xA500]  }
0xb5: {  	v21 =	vmul.f32 v21, v32;
	v32 =	vld [tilespmem:$0xA480];
	v25 =	vmul.f32 v25, v31  }
0xb6: {  	v31 =	vmul.f32 $2.000000030e-01, v29;
	v23 =	vmul.f32 v23, v33  }
0xb7: {  	v26 =	vmul.f32 v28, v26  }
0xb8: {  	v21 =	vadd.f32 v23, v21;
	v20 =	vmul.f32 v20, v34;
	v23 =	vmax.f32 v29, v31;
	v28 =	vld [tilespmem:$0xA680]  }
0xb9: {  	v23 =	vmul.f32 v23, v35  }
0xba: {  	v20 =	vadd.f32 v20, v21;
	v19 =	vmul.f32 v19, v32  }
0xbb: {  	v21 =	vadd.f32 v26, v23  }
0xbc: {  	v19 =	vadd.f32 v19, v20  }
0xbd: {  	v20 =	vadd.f32 v25, v21;
	v18 =	vmul.f32 v18, v28  }
0xbe: {  	v21 =	vperm.xlane v19, v0  }
0xbf: {  	v18 =	vadd.f32 v18, v20  }
0xc0: {  	v19 =	vadd.f32 v21, v19  }
0xc1: {  	v20 =	vperm.xlane v18, v0  }
0xc2: {  	v21 =	vperm.xlane v19, v2  }
0xc3: {  	v18 =	vadd.f32 v20, v18  }
0xc4: {  	v19 =	vadd.f32 v21, v19  }
0xc5: {  	v20 =	vperm.xlane v18, v2  }
0xc6: {  	v21 =	vperm.xlane v19, v5  }
0xc7: {  	v18 =	vadd.f32 v20, v18  }
0xc8: {  	v19 =	vadd.f32 v21, v19  }
0xc9: {  	v20 =	vperm.xlane v18, v5  }
0xca: {  	v21 =	vperm.xlane v19, v6  }
0xcb: {  	v18 =	vadd.f32 v20, v18  }
0xcc: {  	v19 =	vadd.f32 v21, v19  }
0xcd: {  	v20 =	vperm.xlane v18, v6  }
0xce: {  	v19 =	vmul.f32 $1.442695020e+00, v19  }
0xcf: {  	v18 =	vadd.f32 v20, v18  }
0xd0: {  	(erf) = vpow2.f32 v19  }
0xd1: {  	v18 =	vmul.f32 $1.442695020e+00, v18;
	_ =	sdelay $0x1  }
0xd2: {  	(erf) = vpow2.f32 v18;
	_ =	sdelay $0x5  }
0xd3: {  	v18 =	vpop (erf)  }
0xd4: {  	v19 =	vmul.f32 v18, v30;
	v20 =	vmul.f32 v18, v17  }
0xd5: {  	v17 =	vmul.f32 v18, v22;
	v21 =	vmul.f32 v18, v15  }
.Ltmp0:
0xd6: {  	[tilespmem:s0+$0x5310] =	vst v19;
	v15 =	vpop (erf);
	(pc) =	sbr.rel @p0 .LBB2_3-.Ltmp0, $4  }
0xd7: {  	[tilespmem:s0+$0x5330] =	vst v21;
	v19 =	vmul.f32 v15, v24;
	v14 =	vmul.f32 v15, v14  }
0xd8: {  	v16 =	vmul.f32 v15, v16;
	[tilespmem:s0+$0x5300] =	vst v17;
	v17 =	vmul.f32 v15, v27  }
0xd9: {  	[tilespmem:s0+$0x5320] =	vst v20  }
0xda: {  	[tilespmem:s0+$0x5350] =	vst v19  }
0xdb: {  	[tilespmem:s0+$0x5340] =	vst v17  }
0xdc: {  	[tilespmem:s0+$0x5360] =	vst v14  }
0xdd: {  	[tilespmem:s0+$0x5370] =	vst v16  }
0xde: {  	v14 =	vld.msk [tilespmem:s10+$0x0 ss:$0x0], $0xffff  }
0xdf: {  	v16 =	vld.msk [tilespmem:s12+$0x0 ss:$0x0], $0xffff;
	_ =	sdelay $0x3  }
0xe0: {  	v45 =	vsub.s32 v3, v14  }
0xe1: {  	v14 =	vsub.s32 v7, v14;
	v46 =	vadd.s32 v13, v16;
	v47 =	vadd.s32 v11, v16  }
0xe2: {  	v21 =	vadd.s32 v12, v16;
	v24 =	vadd.s32 v4, v16;
	v25 =	vadd.s32 v8, v16  }
0xe3: {  	v26 =	vadd.s32 v9, v16;
	v49 =	vadd.s32 v10, v16;
	v53 =	vsub.s32 $0x0, v16  }
0xe4: {  	v19 =	vsub.s32 $0x0, v45;
	v20 =	vsub.s32 $0x0, v14;
	v22 =	vsub.s32 $0x0, v21  }
0xe5: {  	v23 =	vsub.s32 $0x0, v47;
	v48 =	vsub.s32 $0x0, v24;
	v51 =	vsub.s32 $0x0, v46  }
0xe6: {  	v52 =	vsub.s32 $0x0, v25;
	v16 =	vmin.u32 v16, v53;
	v54 =	vsub.s32 $0x0, v49  }
0xe7: {  	v55 =	vsub.s32 $0x0, v26;
	v17 =	vmin.u32 v45, v19;
	v14 =	vmin.u32 v14, v20  }
0xe8: {  	v21 =	vmin.u32 v21, v22;
	v50 =	vmin.u32 v24, v48;
	v19 =	vmin.u32 v25, v52  }
0xe9: {  	v20 =	vmin.u32 v49, v54;
	vm13 =	vlt.s32 v16, $0x1;
	v22 =	vmin.u32 v26, v55  }
0xea: {  	vm0 =	vlt.s32 v17, $0x1;
	vm1 =	vlt.s32 v14, $0x1;
	vm9 =	vlt.s32 v50, $0x1  }
0xeb: {  	vm10 =	vlt.s32 v21, $0x1;
	vm12 =	vlt.s32 v19, $0x1;
	v16 =	vnsel vm13, $0x1, v16  }
0xec: {  	vm14 =	vlt.s32 v20, $0x1;
	vm15 =	vlt.s32 v22, $0x1;
	v17 =	vnsel vm0, $0x1, v17  }
0xed: {  	v14 =	vnsel vm1, $0x1, v14;
	v19 =	vnsel vm12, $0x1, v19;
	v16 =	vsub.s32 $0x1, v16  }
0xee: {  	v20 =	vnsel vm14, $0x1, v20;
	v17 =	vsub.s32 $0x1, v17;
	v14 =	vsub.s32 $0x1, v14  }
0xef: {  	v22 =	vnsel vm15, $0x1, v22;
	v17 =	vcvt.s32.f32 v17;
	v14 =	vcvt.s32.f32 v14  }
0xf0: {  	v21 =	vnsel vm10, $0x1, v21;
	v19 =	vsub.s32 $0x1, v19;
	v16 =	vcvt.s32.f32 v16  }
0xf1: {  	v20 =	vsub.s32 $0x1, v20;
	v17 =	vmul.f32 v17, v18;
	v14 =	vmul.f32 v14, v15  }
0xf2: {  	v57 =	vsub.s32 $0x1, v22;
	v59 =	vsub.s32 $0x1, v21;
	v19 =	vcvt.s32.f32 v19  }
0xf3: {  	v56 =	vcvt.s32.f32 v20;
	v58 =	vcvt.s32.f32 v57;
	v14 =	vadd.f32 v14, v17  }
0xf4: {  	v61 =	vcvt.s32.f32 v59;
	v15 =	vmin.u32 v47, v23;
	v18 =	vmin.u32 v46, v51  }
0xf5: {  	vm11 =	vlt.s32 v15, $0x1;
	vm2 =	vlt.s32 v18, $0x1;
	v19 =	vmul.f32 v19, v14  }
0xf6: {  	v17 =	vnsel vm9, $0x1, v50;
	v18 =	vnsel vm2, $0x1, v18;
	v16 =	vmul.f32 v16, v14  }
0xf7: {  	v15 =	vnsel vm11, $0x1, v15;
	v17 =	vsub.s32 $0x1, v17;
	v60 =	vmul.f32 v56, v14;
	[tilespmem:s0+$0x7B20] =	vst v19  }
0xf8: {  	v18 =	vsub.s32 $0x1, v18;
	v17 =	vcvt.s32.f32 v17;
	v62 =	vmul.f32 v58, v14;
	[tilespmem:s0+$0x7B00] =	vst v16  }
0xf9: {  	v15 =	vsub.s32 $0x1, v15;
	v18 =	vcvt.s32.f32 v18;
	v63 =	vmul.f32 v61, v14;
	[tilespmem:s0+$0x7B40] =	vst v60  }
0xfa: {  	v15 =	vcvt.s32.f32 v15;
	v17 =	vmul.f32 v17, v14;
	[tilespmem:s0+$0x7B30] =	vst v62  }
0xfb: {  	v18 =	vmul.f32 v18, v14;
	[tilespmem:s0+$0x7B60] =	vst v63  }
0xfc: {  	v14 =	vmul.f32 v15, v14;
	[tilespmem:s0+$0x7B10] =	vst v17  }
0xfd: {  	[tilespmem:s0+$0x7B70] =	vst v18  }
0xfe: {  	[tilespmem:s0+$0x7B50] =	vst v14  }
0xff: {  	[spmem:s1] =	stream.indirect.scatter.add.f32 [tilespmem:s26], [sflag:$0x2], $0x80, s20, s21, $0xb8;
	[tilespmem:$0x1EB00] =	vst v63  }
0x100: {  	s31 =	sadd.s32 $0x1, s31;
	_ =	swait.ge [sflag:s16], $0x2800  }
0x101: {  	p0 =	sne.s32 s31, $0x7D;
	[sflag:s16] =	ssyncset.done $0x0  }
.Ltmp1:
0x102: {  	[sflag:s16] =	ssyncadd.s32 $0xFFFFD800;
	(pc) =	sbr.rel @p0 .LBB2_2-.Ltmp1, $4  }
0x103: {  	[spmem:s2] =	stream.indirect.scatter.add.f32 [tilespmem:s29], [sflag:$0x2], $0x80, s28, s21, $0xb8;
	[tilespmem:$0x1EB00] =	vst v63  }
0x104: {  	_ =	swait.ge [sflag:s16], $0x2800  }
0x105: {  	[sflag:s16] =	ssyncset.done $0x0  }
0x106: {  	[sflag:s16] =	ssyncadd.s32 $0xFFFFD800  }
0x107: {  	[bflag:$0x0] =	sbarrier.arrive $0xFFFF  }
0x108: {  	s0 =	rddreg [dreg:$0x6]  }
0x109: {  	[hbm:s0], [sflag:s17] =	dma.local [spmem:s18], $0x2780  }
0x10a: {  	s30 =	sadd.s32 $0x1, s30;
	_ =	swait.ge [sflag:s16], $0x2780  }
0x10b: {  	p0 =	sne.s32 s30, s14;
	[sflag:s16] =	ssyncset.done $0x0  }
.Ltmp2:
0x10c: {  	s31 =	rddreg [dreg:$0x7];
	[sflag:s16] =	ssyncadd.s32 $0xFFFFD880;
	(pc) =	sbr.rel @p0 .LBB2_1-.Ltmp2, $4  }
0x10d: {  	[hbm:s31], [sflag:s17] =	dma.local [spmem:s19], $0x100  }
0x10e: {  	_ =	swait.ge [sflag:s16], $0x100  }
0x10f: {  	[sflag:s16] =	ssyncset.done $0x0  }
0x110: {  	[sflag:s16] =	ssyncadd.s32 $0xFFFFFF00  }
0x111: {  	_ =	sfence.sel $0x180000  }
0x112: {  	[bflag:$0x0] =	sbarrier.arrive $0xFFFF  }
0x113: {  	_ =	strace $0x90000047  }
0x114: {  	s0 =	stileid.u32;
	[bflag:$0x2] =	sbarrier.arrive $0xFFFF  }
0x115: {  	p0 =	sne.s32 s0, $0x0;
	s0 =	rddreg [dreg:$0x4]  }
0x116: {  	s0 =	sadd.s32 @!p0 $0x100000, s0  }
0x117: {  	[sflag:s0] =	ssyncadd.tile.s32 @!p0 $0x1;
	_ =	shalt  }
.Lfunc_end2:
_tile_overlayer_lowered:
.L_overlay_start_2:
0x118: {  	(tag) =	ssettag $0x2  }
0x119: {  	s0 =	rddreg [dreg:$0x0];
	s2 =	stileid.u32  }
0x11a: {  	s1 =	rddreg [dreg:$0x1];
	p0 =	sne.s32 s2, $0x0  }
0x11b: {  	s3 =	rddreg [dreg:$0x2];
	[bflag:$0x3] =	sbarrier.arrive $0xFFFF;
	s2 =	simm.s32 @!p0 $0x1C02  }
0x11c: {  	[timem:s3], [sflag:s2] =	dma.local @!p0 [hbm:s0], s1  }
0x11d: {  	s0 =	simm.s32 @!p0 $0x2  }
0x11e: {  	_ =	swait.ge @!p0 [sflag:s0], s1  }
0x11f: {  	s1 =	ssub.s32 @!p0 $0x0, s1;
	[sflag:s0] =	ssyncset.done @!p0 $0x0  }
0x120: {  	[sflag:s0] =	ssyncadd.s32 @!p0 s1  }
0x121: {  	[bflag:$0x3] =	sbarrier.arrive $0xFFFF  }
0x122: {  	_ =	shalt  }

</sc_bundles>
